<compile_context>
chip_gen: v7x
topology: tpu7x:2x2x1
jax: 0.10.2.dev20260603
libtpu: 0.0.44.dev20260713+nightly
codegen_flags: <defaults>
</compile_context>

<pallas_src>
import functools

import numpy as np

import jax
import jax.numpy as jnp
from jax import lax
from jax.experimental import pallas as pl
from jax.experimental.pallas import tpu as pltpu
from jax.experimental.pallas import tpu_sc as plsc

_B, _H, _W = 8, 512, 512
_HW = _H * _W
_N_MATCHED = 4096
_N_UNMATCHED = 1024

_NW = 32
_CHUNK = 128
_LANES = 16
_LIN = 2 * _B * _HW

_N_M = 2 * _B * _N_MATCHED
_N_U = _B * _N_UNMATCHED
_M_PER_W = _N_M // _NW
_U_PER_W = _N_U // _NW
_PER_W = _M_PER_W + _U_PER_W
_CHUNKS = _PER_W // _CHUNK

_ROWS_PER_W = 2 * _B * _H // _NW


def _sigmoid16(x):
    return 1.0 / (1.0 + jnp.exp(-x))


@functools.partial(
    pl.kernel,
    out_type=(jax.ShapeDtypeStruct((_NW, _LANES), jnp.float32),
              jax.ShapeDtypeStruct((_LIN,), jnp.float32)),
    mesh=plsc.VectorSubcoreMesh(core_axis_name="c", subcore_axis_name="s"),
    scratch_types=[
        pltpu.VMEM((_PER_W,), jnp.int32),
        pltpu.VMEM((_PER_W,), jnp.int32),
        pltpu.VMEM((2 * _PER_W,), jnp.float32),
        pltpu.VMEM((64, _W), jnp.float32),
        pltpu.VMEM((64, _W), jnp.float32),
        pltpu.SemaphoreType.DMA,
        pltpu.SemaphoreType.DMA,
        pltpu.SemaphoreType.DMA,
        pltpu.SemaphoreType.DMA,
    ],
)
def _bm_loss_sc(inp_hbm, tgt_hbm, am_hbm, bm_hbm, au_hbm, bu_hbm,
                out_hbm, lin_hbm, ia_v, ib_v, vab_v, sb0, sb1,
                isem, gsem, rsem, wsem):
    c = lax.axis_index("c")
    s = lax.axis_index("s")
    wid = s * 2 + c

    i1 = pltpu.async_copy(am_hbm.at[pl.ds(wid * _M_PER_W, _M_PER_W)],
                          ia_v.at[pl.ds(0, _M_PER_W)], isem)
    i2 = pltpu.async_copy(bm_hbm.at[pl.ds(wid * _M_PER_W, _M_PER_W)],
                          ib_v.at[pl.ds(0, _M_PER_W)], isem)
    i3 = pltpu.async_copy(au_hbm.at[pl.ds(wid * _U_PER_W, _U_PER_W)],
                          ia_v.at[pl.ds(_M_PER_W, _U_PER_W)], isem)
    i4 = pltpu.async_copy(bu_hbm.at[pl.ds(wid * _U_PER_W, _U_PER_W)],
                          ib_v.at[pl.ds(_M_PER_W, _U_PER_W)], isem)

    fld = s >> 3
    b = 4 * c + ((s >> 1) & 3)
    r0 = (s & 1) * (_H // 2)
    base = fld * (_B * _HW) + b * _HW + r0 * _W

    def lin_rows(src_ref):
        bufs = (sb0, sb1)
        reads = [pltpu.async_copy(
            src_ref.at[b, 0, pl.ds(r0 + cc * 64, 64), :], bufs[cc % 2], rsem)
            for cc in range(2)]
        for cc in range(4):
            buf = bufs[cc % 2]
            reads[cc].wait()

            def wbody(r, carry, buf=buf, cc=cc):
                pltpu.async_copy(
                    buf.at[r],
                    lin_hbm.at[pl.ds(base + (cc * 64 + r) * _W, _W)], wsem)
                return carry

            lax.fori_loop(0, 64, wbody, 0)
            if cc + 2 < 4:
                pltpu.make_async_copy(lin_hbm.at[pl.ds(0, 64 * _W)],
                                      lin_hbm.at[pl.ds(0, 64 * _W)],
                                      wsem).wait()
                reads.append(pltpu.async_copy(
                    src_ref.at[b, 0, pl.ds(r0 + (cc + 2) * 64, 64), :],
                    buf, rsem))

    @pl.when(fld == 0)
    def _():
        lin_rows(inp_hbm)

    @pl.when(fld == 1)
    def _():
        lin_rows(tgt_hbm)

    pltpu.make_async_copy(lin_hbm.at[pl.ds(0, 128 * _W)],
                          lin_hbm.at[pl.ds(0, 128 * _W)],
                          wsem).wait()
    i1.wait()
    i2.wait()
    i3.wait()
    i4.wait()
    plsc.subcore_barrier()

    def fire(i, carry):
        sl = pl.ds(i * _CHUNK, _CHUNK)
        pltpu.async_copy(lin_hbm.at[ia_v.at[sl]], vab_v.at[sl], gsem)
        pltpu.async_copy(lin_hbm.at[ib_v.at[sl]],
                         vab_v.at[pl.ds(_PER_W + i * _CHUNK, _CHUNK)], gsem)
        return carry

    lax.fori_loop(0, _CHUNKS, fire, 0)
    pltpu.make_async_copy(lin_hbm.at[pl.ds(0, 2 * _PER_W)], vab_v, gsem).wait()

    def matched_body(k, acc):
        a = vab_v[pl.ds(k * _LANES, _LANES)]
        bb = vab_v[pl.ds(_PER_W + k * _LANES, _LANES)]
        d = _sigmoid16(a) - bb
        return acc + 2.0 * (d * d)

    acc = lax.fori_loop(0, _M_PER_W // _LANES, matched_body,
                        jnp.zeros((_LANES,), jnp.float32))

    def unm_body(k, acc):
        a = vab_v[pl.ds(k * _LANES, _LANES)]
        bb = vab_v[pl.ds(_PER_W + k * _LANES, _LANES)]
        d = _sigmoid16(a) - _sigmoid16(bb)
        return acc + d * d

    acc = lax.fori_loop(_M_PER_W // _LANES, _PER_W // _LANES, unm_body, acc)

    pl.run_scoped(
        lambda acc_ref: (acc_ref.__setitem__((...,), acc),
                         pltpu.sync_copy(acc_ref, out_hbm.at[wid])),
        pltpu.VMEM((_LANES,), jnp.float32),
    )


_WIDS = np.arange(_NW)
_CC = _WIDS % 2
_SS = _WIDS // 2
_M_SRC = (_SS >= 8).astype(np.int32)
_M_BATCH = 4 * _CC + ((_SS % 8) >> 1)
_M_HALF = _SS & 1
_U_BATCH = 4 * _CC + (_SS >> 2)
_U_QUARTER = _SS & 3


def kernel(input, target, pred_birth_idx, pred_death_idx, tgt_birth_idx,
           tgt_death_idx, unm_birth_idx, unm_death_idx):
    offs = (jnp.arange(_B, dtype=jnp.int32) * _HW)[:, None]

    def flat(idx, base=0):
        return (idx.astype(jnp.int32) + offs) + base

    def route_matched(birth, death, base=0):
        stacked = jnp.stack([flat(birth, base).reshape(_B, 2, _M_PER_W),
                             flat(death, base).reshape(_B, 2, _M_PER_W)])
        return stacked[_M_SRC, _M_BATCH, _M_HALF].reshape(-1)

    def route_unm(idx):
        r = flat(idx).reshape(_B, 4, _U_PER_W)
        return r[_U_BATCH, _U_QUARTER].reshape(-1)

    am = route_matched(pred_birth_idx, pred_death_idx)
    bm = route_matched(tgt_birth_idx, tgt_death_idx, _B * _HW)
    au = route_unm(unm_birth_idx)
    bu = route_unm(unm_death_idx)

    partials, _ = _bm_loss_sc(input, target, am, bm, au, bu)
    return jnp.sum(partials).reshape(1)

# --- scband reference (transcript-rebuilt; emitter-appended) ---
"""Pipeline reference for scband-betti-matching-loss-24146306138343 (READ-ONLY COPY).

The authoritative reference and input builder live on the scoring server;
editing this copy changes nothing except your own understanding.
"""

import jax, jax.numpy as jnp
import numpy as np

B, H, W = 8, 512, 512
N_MATCHED = 4096
N_UNMATCHED = 1024


def setup_inputs(seed: int = 0) -> dict:
    key = jax.random.key(seed)
    ks = jax.random.split(key, 8)
    inp = jax.random.normal(ks[0], (B, 1, H, W), dtype=jnp.float32)
    tgt = jax.random.uniform(ks[1], (B, 1, H, W), dtype=jnp.float32)
    hw = H * W
    # Simulated Betti-matching results (the C++ bm.compute_matching binding is not
    # available; persistence pair coordinates are modeled as fixed integer indices,
    # which are non-differentiable constants in the original module as well).
    pred_birth_idx = jax.random.randint(ks[2], (B, N_MATCHED), 0, hw)
    pred_death_idx = jax.random.randint(ks[3], (B, N_MATCHED), 0, hw)
    tgt_birth_idx = jax.random.randint(ks[4], (B, N_MATCHED), 0, hw)
    tgt_death_idx = jax.random.randint(ks[5], (B, N_MATCHED), 0, hw)
    unm_birth_idx = jax.random.randint(ks[6], (B, N_UNMATCHED), 0, hw)
    unm_death_idx = jax.random.randint(ks[7], (B, N_UNMATCHED), 0, hw)
    return {
        "input": inp,
        "target": tgt,
        "pred_birth_idx": pred_birth_idx,
        "pred_death_idx": pred_death_idx,
        "tgt_birth_idx": tgt_birth_idx,
        "tgt_death_idx": tgt_death_idx,
        "unm_birth_idx": unm_birth_idx,
        "unm_death_idx": unm_death_idx,
    }


def reference(input, target, pred_birth_idx, pred_death_idx, tgt_birth_idx,
              tgt_death_idx, unm_birth_idx, unm_death_idx):
    # C == 1, logits outside [0,1] -> sigmoid (mirrors forward's branch)
    pred_fg = jax.nn.sigmoid(input[:, 0])
    tgt_fg = target[:, 0]
    # sublevel filtration: fields used directly
    pf = pred_fg.reshape(B, -1)
    tf = tgt_fg.reshape(B, -1)
    # _tensor_values_at_coords -> gather at persistence pair coordinates
    pb = jnp.take_along_axis(pf, pred_birth_idx, axis=1)
    pd = jnp.take_along_axis(pf, pred_death_idx, axis=1)
    tb = jnp.take_along_axis(tf, tgt_birth_idx, axis=1)
    td = jnp.take_along_axis(tf, tgt_death_idx, axis=1)
    # loss_matched = 2 * sum((pred_pairs - tgt_pairs)^2)
    loss_matched = 2.0 * (((pb - tb) ** 2) + ((pd - td) ** 2)).sum()
    # unmatched prediction pairs pushed to diagonal: sum((birth - death)^2)
    ub = jnp.take_along_axis(pf, unm_birth_idx, axis=1)
    ud = jnp.take_along_axis(pf, unm_death_idx, axis=1)
    loss_unmatched_pred = ((ub - ud) ** 2).sum()
    # include_unmatched_target = False
    total = loss_matched + loss_unmatched_pred
    return total.reshape(1)

if __name__ == "__main__":
    import jax
    _d = setup_inputs()
    print(jax.jit(kernel)(*tuple(_d.values())))

</pallas_src>

<mosaic_0001>
#map = affine_map<(d0, d1) -> (0, 0, 0, 0)>
#map1 = affine_map<(d0, d1) -> (0)>
#map2 = affine_map<(d0, d1) -> (0, 0)>
module attributes {stable_mosaic.version = 14 : i64} {
  func.func @_bm_loss_sc(%arg0: i32, %arg1: i32, %arg2: memref<8x1x512x512xf32, #tpu.memory_space<hbm>>, %arg3: memref<8x1x512x512xf32, #tpu.memory_space<hbm>>, %arg4: memref<65536xi32, #tpu.memory_space<hbm>>, %arg5: memref<65536xi32, #tpu.memory_space<hbm>>, %arg6: memref<8192xi32, #tpu.memory_space<hbm>>, %arg7: memref<8192xi32, #tpu.memory_space<hbm>>, %arg8: memref<32x16xf32, #tpu.memory_space<hbm>>, %arg9: memref<4194304xf32, #tpu.memory_space<hbm>>, %arg10: memref<2304xi32, #tpu.memory_space<vmem>>, %arg11: memref<2304xi32, #tpu.memory_space<vmem>>, %arg12: memref<4608xf32, #tpu.memory_space<vmem>>, %arg13: memref<64x512xf32, #tpu.memory_space<vmem>>, %arg14: memref<64x512xf32, #tpu.memory_space<vmem>>, %arg15: memref<!tpu.dma_semaphore, #tpu.memory_space<semaphore_mem>>, %arg16: memref<!tpu.dma_semaphore, #tpu.memory_space<semaphore_mem>>, %arg17: memref<!tpu.dma_semaphore, #tpu.memory_space<semaphore_mem>>, %arg18: memref<!tpu.dma_semaphore, #tpu.memory_space<semaphore_mem>>) attributes {dimension_semantics = [#tpu.dimension_semantics<core_parallel>, #tpu.dimension_semantics<subcore_parallel>], iteration_bounds = array<i64: 2, 16>, scalar_prefetch = 0 : i64, scratch_operands = 9 : i64, tpu.core_type = #tpu.core_type<sc_vector_subcore>, window_params = [{transform_indices = #map}, {transform_indices = #map}, {transform_indices = #map1}, {transform_indices = #map1}, {transform_indices = #map1}, {transform_indices = #map1}, {transform_indices = #map2}, {transform_indices = #map1}]} {
    %mul3A = arith.constant 2 : i32
    %mul3A_0 = arith.muli %arg1, %mul3A : i32
    %add3A = arith.addi %mul3A_0, %arg0 : i32
    %mul3A_1 = arith.constant 2048 : i32
    %mul3A_2 = arith.muli %add3A, %mul3A_1 : i32
    %dma_start3A = arith.constant 0 : i32
    %dma_start3A_3 = tpu.memref_slice %arg10[%dma_start3A] : memref<2304xi32, #tpu.memory_space<vmem>> -> memref<2048xi32, #tpu.memory_space<vmem>>
    %dma_start3A_4 = tpu.memref_slice %arg4[%mul3A_2] : memref<65536xi32, #tpu.memory_space<hbm>> -> memref<2048xi32, #tpu.memory_space<hbm>>
    %dma_start3A_5 = arith.constant 0 : i32
    %dma_start3A_6 = tpu.memref_slice %arg10[%dma_start3A_5] : memref<2304xi32, #tpu.memory_space<vmem>> -> memref<2048xi32, #tpu.memory_space<vmem>>
    %dma_start3A_7 = tpu.memref_slice %arg4[%mul3A_2] : memref<65536xi32, #tpu.memory_space<hbm>> -> memref<2048xi32, #tpu.memory_space<hbm>>
    tpu.enqueue_dma source(%dma_start3A_7 : memref<2048xi32, #tpu.memory_space<hbm>>) target(%dma_start3A_6 : memref<2048xi32, #tpu.memory_space<vmem>>) target_semaphore(%arg15 : memref<!tpu.dma_semaphore, #tpu.memory_space<semaphore_mem>>)
    %mul3A_8 = arith.constant 2048 : i32
    %mul3A_9 = arith.muli %add3A, %mul3A_8 : i32
    %dma_start3A_10 = arith.constant 0 : i32
    %dma_start3A_11 = tpu.memref_slice %arg11[%dma_start3A_10] : memref<2304xi32, #tpu.memory_space<vmem>> -> memref<2048xi32, #tpu.memory_space<vmem>>
    %dma_start3A_12 = tpu.memref_slice %arg5[%mul3A_9] : memref<65536xi32, #tpu.memory_space<hbm>> -> memref<2048xi32, #tpu.memory_space<hbm>>
    %dma_start3A_13 = arith.constant 0 : i32
    %dma_start3A_14 = tpu.memref_slice %arg11[%dma_start3A_13] : memref<2304xi32, #tpu.memory_space<vmem>> -> memref<2048xi32, #tpu.memory_space<vmem>>
    %dma_start3A_15 = tpu.memref_slice %arg5[%mul3A_9] : memref<65536xi32, #tpu.memory_space<hbm>> -> memref<2048xi32, #tpu.memory_space<hbm>>
    tpu.enqueue_dma source(%dma_start3A_15 : memref<2048xi32, #tpu.memory_space<hbm>>) target(%dma_start3A_14 : memref<2048xi32, #tpu.memory_space<vmem>>) target_semaphore(%arg15 : memref<!tpu.dma_semaphore, #tpu.memory_space<semaphore_mem>>)
    %mul3A_16 = arith.constant 256 : i32
    %mul3A_17 = arith.muli %add3A, %mul3A_16 : i32
    %dma_start3A_18 = arith.constant 2048 : i32
    %dma_start3A_19 = tpu.memref_slice %arg10[%dma_start3A_18] : memref<2304xi32, #tpu.memory_space<vmem>> -> memref<256xi32, #tpu.memory_space<vmem>>
    %dma_start3A_20 = tpu.memref_slice %arg6[%mul3A_17] : memref<8192xi32, #tpu.memory_space<hbm>> -> memref<256xi32, #tpu.memory_space<hbm>>
    %dma_start3A_21 = arith.constant 2048 : i32
    %dma_start3A_22 = tpu.memref_slice %arg10[%dma_start3A_21] : memref<2304xi32, #tpu.memory_space<vmem>> -> memref<256xi32, #tpu.memory_space<vmem>>
    %dma_start3A_23 = tpu.memref_slice %arg6[%mul3A_17] : memref<8192xi32, #tpu.memory_space<hbm>> -> memref<256xi32, #tpu.memory_space<hbm>>
    tpu.enqueue_dma source(%dma_start3A_23 : memref<256xi32, #tpu.memory_space<hbm>>) target(%dma_start3A_22 : memref<256xi32, #tpu.memory_space<vmem>>) target_semaphore(%arg15 : memref<!tpu.dma_semaphore, #tpu.memory_space<semaphore_mem>>)
    %mul3A_24 = arith.constant 256 : i32
    %mul3A_25 = arith.muli %add3A, %mul3A_24 : i32
    %dma_start3A_26 = arith.constant 2048 : i32
    %dma_start3A_27 = tpu.memref_slice %arg11[%dma_start3A_26] : memref<2304xi32, #tpu.memory_space<vmem>> -> memref<256xi32, #tpu.memory_space<vmem>>
    %dma_start3A_28 = tpu.memref_slice %arg7[%mul3A_25] : memref<8192xi32, #tpu.memory_space<hbm>> -> memref<256xi32, #tpu.memory_space<hbm>>
    %dma_start3A_29 = arith.constant 2048 : i32
    %dma_start3A_30 = tpu.memref_slice %arg11[%dma_start3A_29] : memref<2304xi32, #tpu.memory_space<vmem>> -> memref<256xi32, #tpu.memory_space<vmem>>
    %dma_start3A_31 = tpu.memref_slice %arg7[%mul3A_25] : memref<8192xi32, #tpu.memory_space<hbm>> -> memref<256xi32, #tpu.memory_space<hbm>>
    tpu.enqueue_dma source(%dma_start3A_31 : memref<256xi32, #tpu.memory_space<hbm>>) target(%dma_start3A_30 : memref<256xi32, #tpu.memory_space<vmem>>) target_semaphore(%arg15 : memref<!tpu.dma_semaphore, #tpu.memory_space<semaphore_mem>>)
    %shift_right_arithmetic3A = arith.constant 3 : i32
    %shift_right_arithmetic3A_32 = arith.shrsi %arg1, %shift_right_arithmetic3A : i32
    %mul3A_33 = arith.constant 4 : i32
    %mul3A_34 = arith.muli %mul3A_33, %arg0 : i32
    %shift_right_arithmetic3A_35 = arith.constant 1 : i32
    %shift_right_arithmetic3A_36 = arith.shrsi %arg1, %shift_right_arithmetic3A_35 : i32
    %and3A = arith.constant 3 : i32
    %and3A_37 = arith.andi %shift_right_arithmetic3A_36, %and3A : i32
    %add3A_38 = arith.addi %mul3A_34, %and3A_37 : i32
    %and3A_39 = arith.constant 1 : i32
    %and3A_40 = arith.andi %arg1, %and3A_39 : i32
    %mul3A_41 = arith.constant 256 : i32
    %mul3A_42 = arith.muli %and3A_40, %mul3A_41 : i32
    %mul3A_43 = arith.constant 2097152 : i32
    %mul3A_44 = arith.muli %shift_right_arithmetic3A_32, %mul3A_43 : i32
    %mul3A_45 = arith.constant 262144 : i32
    %mul3A_46 = arith.muli %add3A_38, %mul3A_45 : i32
    %add3A_47 = arith.addi %mul3A_44, %mul3A_46 : i32
    %mul3A_48 = arith.constant 512 : i32
    %mul3A_49 = arith.muli %mul3A_42, %mul3A_48 : i32
    %add3A_50 = arith.addi %add3A_47, %mul3A_49 : i32
    %eq3A = arith.constant 0 : i32
    %eq3A_51 = arith.cmpi eq, %shift_right_arithmetic3A_32, %eq3A : i32
    %convert_element_type3A = arith.extui %eq3A_51 : i1 to i32
    %cond3A = arith.constant 0 : i32
    %cond3A_52 = arith.cmpi ne, %convert_element_type3A, %cond3A : i32
    scf.if %cond3A_52 {
      %add3A_107 = arith.constant 0 : i32
      %add3A_108 = arith.addi %mul3A_42, %add3A_107 : i32
      %dma_start3A_109 = arith.constant 0 : i32
      %dma_start3A_110 = arith.constant 0 : i32
      %dma_start3A_111 = tpu.memref_slice %arg2[%add3A_38, %dma_start3A_109, %add3A_108, %dma_start3A_110] : memref<8x1x512x512xf32, #tpu.memory_space<hbm>> -> memref<1x1x64x512xf32, #tpu.memory_space<hbm>>
      %dma_start3A_112 = tpu.memref_squeeze %dma_start3A_111 : memref<1x1x64x512xf32, #tpu.memory_space<hbm>> -> memref<64x512xf32, #tpu.memory_space<hbm>>
      %dma_start3A_113 = arith.constant 0 : i32
      %dma_start3A_114 = tpu.memref_slice %arg2[%add3A_38, %dma_start3A_109, %add3A_108, %dma_start3A_113] : memref<8x1x512x512xf32, #tpu.memory_space<hbm>> -> memref<1x1x64x512xf32, #tpu.memory_space<hbm>>
      %dma_start3A_115 = tpu.memref_squeeze %dma_start3A_114 : memref<1x1x64x512xf32, #tpu.memory_space<hbm>> -> memref<64x512xf32, #tpu.memory_space<hbm>>
      tpu.enqueue_dma source(%dma_start3A_115 : memref<64x512xf32, #tpu.memory_space<hbm>>) target(%arg13 : memref<64x512xf32, #tpu.memory_space<vmem>>) target_semaphore(%arg17 : memref<!tpu.dma_semaphore, #tpu.memory_space<semaphore_mem>>)
      %add3A_116 = arith.constant 64 : i32
      %add3A_117 = arith.addi %mul3A_42, %add3A_116 : i32
      %dma_start3A_118 = arith.constant 0 : i32
      %dma_start3A_119 = arith.constant 0 : i32
      %dma_start3A_120 = tpu.memref_slice %arg2[%add3A_38, %dma_start3A_118, %add3A_117, %dma_start3A_119] : memref<8x1x512x512xf32, #tpu.memory_space<hbm>> -> memref<1x1x64x512xf32, #tpu.memory_space<hbm>>
      %dma_start3A_121 = tpu.memref_squeeze %dma_start3A_120 : memref<1x1x64x512xf32, #tpu.memory_space<hbm>> -> memref<64x512xf32, #tpu.memory_space<hbm>>
      %dma_start3A_122 = arith.constant 0 : i32
      %dma_start3A_123 = tpu.memref_slice %arg2[%add3A_38, %dma_start3A_118, %add3A_117, %dma_start3A_122] : memref<8x1x512x512xf32, #tpu.memory_space<hbm>> -> memref<1x1x64x512xf32, #tpu.memory_space<hbm>>
      %dma_start3A_124 = tpu.memref_squeeze %dma_start3A_123 : memref<1x1x64x512xf32, #tpu.memory_space<hbm>> -> memref<64x512xf32, #tpu.memory_space<hbm>>
      tpu.enqueue_dma source(%dma_start3A_124 : memref<64x512xf32, #tpu.memory_space<hbm>>) target(%arg14 : memref<64x512xf32, #tpu.memory_space<vmem>>) target_semaphore(%arg17 : memref<!tpu.dma_semaphore, #tpu.memory_space<semaphore_mem>>)
      %dma_wait3A_125 = arith.constant 0 : i32
      %dma_wait3A_126 = arith.constant 0 : i32
      %dma_wait3A_127 = tpu.memref_slice %arg2[%add3A_38, %dma_wait3A_125, %add3A_108, %dma_wait3A_126] : memref<8x1x512x512xf32, #tpu.memory_space<hbm>> -> memref<1x1x64x512xf32, #tpu.memory_space<hbm>>
      %dma_wait3A_128 = tpu.memref_squeeze %dma_wait3A_127 : memref<1x1x64x512xf32, #tpu.memory_space<hbm>> -> memref<64x512xf32, #tpu.memory_space<hbm>>
      %dma_wait3A_129 = arith.constant 0 : i32
      %dma_wait3A_130 = tpu.memref_slice %arg2[%add3A_38, %dma_wait3A_125, %add3A_108, %dma_wait3A_129] : memref<8x1x512x512xf32, #tpu.memory_space<hbm>> -> memref<1x1x64x512xf32, #tpu.memory_space<hbm>>
      %dma_wait3A_131 = tpu.memref_squeeze %dma_wait3A_130 : memref<1x1x64x512xf32, #tpu.memory_space<hbm>> -> memref<64x512xf32, #tpu.memory_space<hbm>>
      tpu.wait_dma2 semaphore(%arg17 : memref<!tpu.dma_semaphore, #tpu.memory_space<semaphore_mem>>) src(%dma_wait3A_131 : memref<64x512xf32, #tpu.memory_space<hbm>>) dst(%arg13 : memref<64x512xf32, #tpu.memory_space<vmem>>)
      %scan3A_132 = arith.constant 0 : i32
      %scan3A_133 = arith.constant 0 : i32
      %scan3A_134 = arith.constant 64 : i32
      %scan3A_135 = arith.addi %scan3A_133, %scan3A_134 : i32
      %scan3A_136 = arith.constant 1 : i32
      scf.for %scan3A_203 = %scan3A_133 to %scan3A_135 step %scan3A_136  : i32 {
        %add3A_204 = arith.constant 0 : i32
        %add3A_205 = arith.addi %add3A_204, %scan3A_203 : i32
        %mul3A_206 = arith.constant 512 : i32
        %mul3A_207 = arith.muli %add3A_205, %mul3A_206 : i32
        %add3A_208 = arith.addi %add3A_50, %mul3A_207 : i32
        %dma_start3A_209 = arith.constant 0 : i32
        %dma_start3A_210 = tpu.memref_slice %arg13[%scan3A_203, %dma_start3A_209] : memref<64x512xf32, #tpu.memory_space<vmem>> -> memref<1x512xf32, #tpu.memory_space<vmem>>
        %dma_start3A_211 = tpu.memref_squeeze %dma_start3A_210 : memref<1x512xf32, #tpu.memory_space<vmem>> -> memref<512xf32, #tpu.memory_space<vmem>>
        %dma_start3A_212 = tpu.memref_slice %arg9[%add3A_208] : memref<4194304xf32, #tpu.memory_space<hbm>> -> memref<512xf32, #tpu.memory_space<hbm>>
        %dma_start3A_213 = tpu.memref_slice %arg9[%add3A_208] : memref<4194304xf32, #tpu.memory_space<hbm>> -> memref<512xf32, #tpu.memory_space<hbm>>
        %dma_start3A_214 = arith.constant 0 : i32
        %dma_start3A_215 = tpu.memref_slice %arg13[%scan3A_203, %dma_start3A_214] : memref<64x512xf32, #tpu.memory_space<vmem>> -> memref<1x512xf32, #tpu.memory_space<vmem>>
        %dma_start3A_216 = tpu.memref_squeeze %dma_start3A_215 : memref<1x512xf32, #tpu.memory_space<vmem>> -> memref<512xf32, #tpu.memory_space<vmem>>
        tpu.enqueue_dma source(%dma_start3A_216 : memref<512xf32, #tpu.memory_space<vmem>>) target(%dma_start3A_213 : memref<512xf32, #tpu.memory_space<hbm>>) target_semaphore(%arg18 : memref<!tpu.dma_semaphore, #tpu.memory_space<semaphore_mem>>)
      }
      %scan3A_137 = arith.constant 64 : i32
      %dma_wait3A_138 = arith.constant 0 : i32
      %dma_wait3A_139 = tpu.memref_slice %arg9[%dma_wait3A_138] : memref<4194304xf32, #tpu.memory_space<hbm>> -> memref<32768xf32, #tpu.memory_space<hbm>>
      %dma_wait3A_140 = arith.constant 0 : i32
      %dma_wait3A_141 = tpu.memref_slice %arg9[%dma_wait3A_140] : memref<4194304xf32, #tpu.memory_space<hbm>> -> memref<32768xf32, #tpu.memory_space<hbm>>
      tpu.wait_dma2 semaphore(%arg18 : memref<!tpu.dma_semaphore, #tpu.memory_space<semaphore_mem>>) src(%dma_wait3A_141 : memref<32768xf32, #tpu.memory_space<hbm>>) dst(%dma_wait3A_139 : memref<32768xf32, #tpu.memory_space<hbm>>)
      %add3A_142 = arith.constant 128 : i32
      %add3A_143 = arith.addi %mul3A_42, %add3A_142 : i32
      %dma_start3A_144 = arith.constant 0 : i32
      %dma_start3A_145 = arith.constant 0 : i32
      %dma_start3A_146 = tpu.memref_slice %arg2[%add3A_38, %dma_start3A_144, %add3A_143, %dma_start3A_145] : memref<8x1x512x512xf32, #tpu.memory_space<hbm>> -> memref<1x1x64x512xf32, #tpu.memory_space<hbm>>
      %dma_start3A_147 = tpu.memref_squeeze %dma_start3A_146 : memref<1x1x64x512xf32, #tpu.memory_space<hbm>> -> memref<64x512xf32, #tpu.memory_space<hbm>>
      %dma_start3A_148 = arith.constant 0 : i32
      %dma_start3A_149 = tpu.memref_slice %arg2[%add3A_38, %dma_start3A_144, %add3A_143, %dma_start3A_148] : memref<8x1x512x512xf32, #tpu.memory_space<hbm>> -> memref<1x1x64x512xf32, #tpu.memory_space<hbm>>
      %dma_start3A_150 = tpu.memref_squeeze %dma_start3A_149 : memref<1x1x64x512xf32, #tpu.memory_space<hbm>> -> memref<64x512xf32, #tpu.memory_space<hbm>>
      tpu.enqueue_dma source(%dma_start3A_150 : memref<64x512xf32, #tpu.memory_space<hbm>>) target(%arg13 : memref<64x512xf32, #tpu.memory_space<vmem>>) target_semaphore(%arg17 : memref<!tpu.dma_semaphore, #tpu.memory_space<semaphore_mem>>)
      %dma_wait3A_151 = arith.constant 0 : i32
      %dma_wait3A_152 = arith.constant 0 : i32
      %dma_wait3A_153 = tpu.memref_slice %arg2[%add3A_38, %dma_wait3A_151, %add3A_117, %dma_wait3A_152] : memref<8x1x512x512xf32, #tpu.memory_space<hbm>> -> memref<1x1x64x512xf32, #tpu.memory_space<hbm>>
      %dma_wait3A_154 = tpu.memref_squeeze %dma_wait3A_153 : memref<1x1x64x512xf32, #tpu.memory_space<hbm>> -> memref<64x512xf32, #tpu.memory_space<hbm>>
      %dma_wait3A_155 = arith.constant 0 : i32
      %dma_wait3A_156 = tpu.memref_slice %arg2[%add3A_38, %dma_wait3A_151, %add3A_117, %dma_wait3A_155] : memref<8x1x512x512xf32, #tpu.memory_space<hbm>> -> memref<1x1x64x512xf32, #tpu.memory_space<hbm>>
      %dma_wait3A_157 = tpu.memref_squeeze %dma_wait3A_156 : memref<1x1x64x512xf32, #tpu.memory_space<hbm>> -> memref<64x512xf32, #tpu.memory_space<hbm>>
      tpu.wait_dma2 semaphore(%arg17 : memref<!tpu.dma_semaphore, #tpu.memory_space<semaphore_mem>>) src(%dma_wait3A_157 : memref<64x512xf32, #tpu.memory_space<hbm>>) dst(%arg14 : memref<64x512xf32, #tpu.memory_space<vmem>>)
      %scan3A_158 = arith.constant 0 : i32
      %scan3A_159 = arith.constant 0 : i32
      %scan3A_160 = arith.constant 64 : i32
      %scan3A_161 = arith.addi %scan3A_159, %scan3A_160 : i32
      %scan3A_162 = arith.constant 1 : i32
      scf.for %scan3A_203 = %scan3A_159 to %scan3A_161 step %scan3A_162  : i32 {
        %add3A_204 = arith.constant 64 : i32
        %add3A_205 = arith.addi %add3A_204, %scan3A_203 : i32
        %mul3A_206 = arith.constant 512 : i32
        %mul3A_207 = arith.muli %add3A_205, %mul3A_206 : i32
        %add3A_208 = arith.addi %add3A_50, %mul3A_207 : i32
        %dma_start3A_209 = arith.constant 0 : i32
        %dma_start3A_210 = tpu.memref_slice %arg14[%scan3A_203, %dma_start3A_209] : memref<64x512xf32, #tpu.memory_space<vmem>> -> memref<1x512xf32, #tpu.memory_space<vmem>>
        %dma_start3A_211 = tpu.memref_squeeze %dma_start3A_210 : memref<1x512xf32, #tpu.memory_space<vmem>> -> memref<512xf32, #tpu.memory_space<vmem>>
        %dma_start3A_212 = tpu.memref_slice %arg9[%add3A_208] : memref<4194304xf32, #tpu.memory_space<hbm>> -> memref<512xf32, #tpu.memory_space<hbm>>
        %dma_start3A_213 = tpu.memref_slice %arg9[%add3A_208] : memref<4194304xf32, #tpu.memory_space<hbm>> -> memref<512xf32, #tpu.memory_space<hbm>>
        %dma_start3A_214 = arith.constant 0 : i32
        %dma_start3A_215 = tpu.memref_slice %arg14[%scan3A_203, %dma_start3A_214] : memref<64x512xf32, #tpu.memory_space<vmem>> -> memref<1x512xf32, #tpu.memory_space<vmem>>
        %dma_start3A_216 = tpu.memref_squeeze %dma_start3A_215 : memref<1x512xf32, #tpu.memory_space<vmem>> -> memref<512xf32, #tpu.memory_space<vmem>>
        tpu.enqueue_dma source(%dma_start3A_216 : memref<512xf32, #tpu.memory_space<vmem>>) target(%dma_start3A_213 : memref<512xf32, #tpu.memory_space<hbm>>) target_semaphore(%arg18 : memref<!tpu.dma_semaphore, #tpu.memory_space<semaphore_mem>>)
      }
      %scan3A_163 = arith.constant 64 : i32
      %dma_wait3A_164 = arith.constant 0 : i32
      %dma_wait3A_165 = tpu.memref_slice %arg9[%dma_wait3A_164] : memref<4194304xf32, #tpu.memory_space<hbm>> -> memref<32768xf32, #tpu.memory_space<hbm>>
      %dma_wait3A_166 = arith.constant 0 : i32
      %dma_wait3A_167 = tpu.memref_slice %arg9[%dma_wait3A_166] : memref<4194304xf32, #tpu.memory_space<hbm>> -> memref<32768xf32, #tpu.memory_space<hbm>>
      tpu.wait_dma2 semaphore(%arg18 : memref<!tpu.dma_semaphore, #tpu.memory_space<semaphore_mem>>) src(%dma_wait3A_167 : memref<32768xf32, #tpu.memory_space<hbm>>) dst(%dma_wait3A_165 : memref<32768xf32, #tpu.memory_space<hbm>>)
      %add3A_168 = arith.constant 192 : i32
      %add3A_169 = arith.addi %mul3A_42, %add3A_168 : i32
      %dma_start3A_170 = arith.constant 0 : i32
      %dma_start3A_171 = arith.constant 0 : i32
      %dma_start3A_172 = tpu.memref_slice %arg2[%add3A_38, %dma_start3A_170, %add3A_169, %dma_start3A_171] : memref<8x1x512x512xf32, #tpu.memory_space<hbm>> -> memref<1x1x64x512xf32, #tpu.memory_space<hbm>>
      %dma_start3A_173 = tpu.memref_squeeze %dma_start3A_172 : memref<1x1x64x512xf32, #tpu.memory_space<hbm>> -> memref<64x512xf32, #tpu.memory_space<hbm>>
      %dma_start3A_174 = arith.constant 0 : i32
      %dma_start3A_175 = tpu.memref_slice %arg2[%add3A_38, %dma_start3A_170, %add3A_169, %dma_start3A_174] : memref<8x1x512x512xf32, #tpu.memory_space<hbm>> -> memref<1x1x64x512xf32, #tpu.memory_space<hbm>>
      %dma_start3A_176 = tpu.memref_squeeze %dma_start3A_175 : memref<1x1x64x512xf32, #tpu.memory_space<hbm>> -> memref<64x512xf32, #tpu.memory_space<hbm>>
      tpu.enqueue_dma source(%dma_start3A_176 : memref<64x512xf32, #tpu.memory_space<hbm>>) target(%arg14 : memref<64x512xf32, #tpu.memory_space<vmem>>) target_semaphore(%arg17 : memref<!tpu.dma_semaphore, #tpu.memory_space<semaphore_mem>>)
      %dma_wait3A_177 = arith.constant 0 : i32
      %dma_wait3A_178 = arith.constant 0 : i32
      %dma_wait3A_179 = tpu.memref_slice %arg2[%add3A_38, %dma_wait3A_177, %add3A_143, %dma_wait3A_178] : memref<8x1x512x512xf32, #tpu.memory_space<hbm>> -> memref<1x1x64x512xf32, #tpu.memory_space<hbm>>
      %dma_wait3A_180 = tpu.memref_squeeze %dma_wait3A_179 : memref<1x1x64x512xf32, #tpu.memory_space<hbm>> -> memref<64x512xf32, #tpu.memory_space<hbm>>
      %dma_wait3A_181 = arith.constant 0 : i32
      %dma_wait3A_182 = tpu.memref_slice %arg2[%add3A_38, %dma_wait3A_177, %add3A_143, %dma_wait3A_181] : memref<8x1x512x512xf32, #tpu.memory_space<hbm>> -> memref<1x1x64x512xf32, #tpu.memory_space<hbm>>
      %dma_wait3A_183 = tpu.memref_squeeze %dma_wait3A_182 : memref<1x1x64x512xf32, #tpu.memory_space<hbm>> -> memref<64x512xf32, #tpu.memory_space<hbm>>
      tpu.wait_dma2 semaphore(%arg17 : memref<!tpu.dma_semaphore, #tpu.memory_space<semaphore_mem>>) src(%dma_wait3A_183 : memref<64x512xf32, #tpu.memory_space<hbm>>) dst(%arg13 : memref<64x512xf32, #tpu.memory_space<vmem>>)
      %scan3A_184 = arith.constant 0 : i32
      %scan3A_185 = arith.constant 0 : i32
      %scan3A_186 = arith.constant 64 : i32
      %scan3A_187 = arith.addi %scan3A_185, %scan3A_186 : i32
      %scan3A_188 = arith.constant 1 : i32
      scf.for %scan3A_203 = %scan3A_185 to %scan3A_187 step %scan3A_188  : i32 {
        %add3A_204 = arith.constant 128 : i32
        %add3A_205 = arith.addi %add3A_204, %scan3A_203 : i32
        %mul3A_206 = arith.constant 512 : i32
        %mul3A_207 = arith.muli %add3A_205, %mul3A_206 : i32
        %add3A_208 = arith.addi %add3A_50, %mul3A_207 : i32
        %dma_start3A_209 = arith.constant 0 : i32
        %dma_start3A_210 = tpu.memref_slice %arg13[%scan3A_203, %dma_start3A_209] : memref<64x512xf32, #tpu.memory_space<vmem>> -> memref<1x512xf32, #tpu.memory_space<vmem>>
        %dma_start3A_211 = tpu.memref_squeeze %dma_start3A_210 : memref<1x512xf32, #tpu.memory_space<vmem>> -> memref<512xf32, #tpu.memory_space<vmem>>
        %dma_start3A_212 = tpu.memref_slice %arg9[%add3A_208] : memref<4194304xf32, #tpu.memory_space<hbm>> -> memref<512xf32, #tpu.memory_space<hbm>>
        %dma_start3A_213 = tpu.memref_slice %arg9[%add3A_208] : memref<4194304xf32, #tpu.memory_space<hbm>> -> memref<512xf32, #tpu.memory_space<hbm>>
        %dma_start3A_214 = arith.constant 0 : i32
        %dma_start3A_215 = tpu.memref_slice %arg13[%scan3A_203, %dma_start3A_214] : memref<64x512xf32, #tpu.memory_space<vmem>> -> memref<1x512xf32, #tpu.memory_space<vmem>>
        %dma_start3A_216 = tpu.memref_squeeze %dma_start3A_215 : memref<1x512xf32, #tpu.memory_space<vmem>> -> memref<512xf32, #tpu.memory_space<vmem>>
        tpu.enqueue_dma source(%dma_start3A_216 : memref<512xf32, #tpu.memory_space<vmem>>) target(%dma_start3A_213 : memref<512xf32, #tpu.memory_space<hbm>>) target_semaphore(%arg18 : memref<!tpu.dma_semaphore, #tpu.memory_space<semaphore_mem>>)
      }
      %scan3A_189 = arith.constant 64 : i32
      %dma_wait3A_190 = arith.constant 0 : i32
      %dma_wait3A_191 = arith.constant 0 : i32
      %dma_wait3A_192 = tpu.memref_slice %arg2[%add3A_38, %dma_wait3A_190, %add3A_169, %dma_wait3A_191] : memref<8x1x512x512xf32, #tpu.memory_space<hbm>> -> memref<1x1x64x512xf32, #tpu.memory_space<hbm>>
      %dma_wait3A_193 = tpu.memref_squeeze %dma_wait3A_192 : memref<1x1x64x512xf32, #tpu.memory_space<hbm>> -> memref<64x512xf32, #tpu.memory_space<hbm>>
      %dma_wait3A_194 = arith.constant 0 : i32
      %dma_wait3A_195 = tpu.memref_slice %arg2[%add3A_38, %dma_wait3A_190, %add3A_169, %dma_wait3A_194] : memref<8x1x512x512xf32, #tpu.memory_space<hbm>> -> memref<1x1x64x512xf32, #tpu.memory_space<hbm>>
      %dma_wait3A_196 = tpu.memref_squeeze %dma_wait3A_195 : memref<1x1x64x512xf32, #tpu.memory_space<hbm>> -> memref<64x512xf32, #tpu.memory_space<hbm>>
      tpu.wait_dma2 semaphore(%arg17 : memref<!tpu.dma_semaphore, #tpu.memory_space<semaphore_mem>>) src(%dma_wait3A_196 : memref<64x512xf32, #tpu.memory_space<hbm>>) dst(%arg14 : memref<64x512xf32, #tpu.memory_space<vmem>>)
      %scan3A_197 = arith.constant 0 : i32
      %scan3A_198 = arith.constant 0 : i32
      %scan3A_199 = arith.constant 64 : i32
      %scan3A_200 = arith.addi %scan3A_198, %scan3A_199 : i32
      %scan3A_201 = arith.constant 1 : i32
      scf.for %scan3A_203 = %scan3A_198 to %scan3A_200 step %scan3A_201  : i32 {
        %add3A_204 = arith.constant 192 : i32
        %add3A_205 = arith.addi %add3A_204, %scan3A_203 : i32
        %mul3A_206 = arith.constant 512 : i32
        %mul3A_207 = arith.muli %add3A_205, %mul3A_206 : i32
        %add3A_208 = arith.addi %add3A_50, %mul3A_207 : i32
        %dma_start3A_209 = arith.constant 0 : i32
        %dma_start3A_210 = tpu.memref_slice %arg14[%scan3A_203, %dma_start3A_209] : memref<64x512xf32, #tpu.memory_space<vmem>> -> memref<1x512xf32, #tpu.memory_space<vmem>>
        %dma_start3A_211 = tpu.memref_squeeze %dma_start3A_210 : memref<1x512xf32, #tpu.memory_space<vmem>> -> memref<512xf32, #tpu.memory_space<vmem>>
        %dma_start3A_212 = tpu.memref_slice %arg9[%add3A_208] : memref<4194304xf32, #tpu.memory_space<hbm>> -> memref<512xf32, #tpu.memory_space<hbm>>
        %dma_start3A_213 = tpu.memref_slice %arg9[%add3A_208] : memref<4194304xf32, #tpu.memory_space<hbm>> -> memref<512xf32, #tpu.memory_space<hbm>>
        %dma_start3A_214 = arith.constant 0 : i32
        %dma_start3A_215 = tpu.memref_slice %arg14[%scan3A_203, %dma_start3A_214] : memref<64x512xf32, #tpu.memory_space<vmem>> -> memref<1x512xf32, #tpu.memory_space<vmem>>
        %dma_start3A_216 = tpu.memref_squeeze %dma_start3A_215 : memref<1x512xf32, #tpu.memory_space<vmem>> -> memref<512xf32, #tpu.memory_space<vmem>>
        tpu.enqueue_dma source(%dma_start3A_216 : memref<512xf32, #tpu.memory_space<vmem>>) target(%dma_start3A_213 : memref<512xf32, #tpu.memory_space<hbm>>) target_semaphore(%arg18 : memref<!tpu.dma_semaphore, #tpu.memory_space<semaphore_mem>>)
      }
      %scan3A_202 = arith.constant 64 : i32
    } else {
    }
    %eq3A_53 = arith.constant 1 : i32
    %eq3A_54 = arith.cmpi eq, %shift_right_arithmetic3A_32, %eq3A_53 : i32
    %convert_element_type3A_55 = arith.extui %eq3A_54 : i1 to i32
    %cond3A_56 = arith.constant 0 : i32
    %cond3A_57 = arith.cmpi ne, %convert_element_type3A_55, %cond3A_56 : i32
    scf.if %cond3A_57 {
      %add3A_107 = arith.constant 0 : i32
      %add3A_108 = arith.addi %mul3A_42, %add3A_107 : i32
      %dma_start3A_109 = arith.constant 0 : i32
      %dma_start3A_110 = arith.constant 0 : i32
      %dma_start3A_111 = tpu.memref_slice %arg3[%add3A_38, %dma_start3A_109, %add3A_108, %dma_start3A_110] : memref<8x1x512x512xf32, #tpu.memory_space<hbm>> -> memref<1x1x64x512xf32, #tpu.memory_space<hbm>>
      %dma_start3A_112 = tpu.memref_squeeze %dma_start3A_111 : memref<1x1x64x512xf32, #tpu.memory_space<hbm>> -> memref<64x512xf32, #tpu.memory_space<hbm>>
      %dma_start3A_113 = arith.constant 0 : i32
      %dma_start3A_114 = tpu.memref_slice %arg3[%add3A_38, %dma_start3A_109, %add3A_108, %dma_start3A_113] : memref<8x1x512x512xf32, #tpu.memory_space<hbm>> -> memref<1x1x64x512xf32, #tpu.memory_space<hbm>>
      %dma_start3A_115 = tpu.memref_squeeze %dma_start3A_114 : memref<1x1x64x512xf32, #tpu.memory_space<hbm>> -> memref<64x512xf32, #tpu.memory_space<hbm>>
      tpu.enqueue_dma source(%dma_start3A_115 : memref<64x512xf32, #tpu.memory_space<hbm>>) target(%arg13 : memref<64x512xf32, #tpu.memory_space<vmem>>) target_semaphore(%arg17 : memref<!tpu.dma_semaphore, #tpu.memory_space<semaphore_mem>>)
      %add3A_116 = arith.constant 64 : i32
      %add3A_117 = arith.addi %mul3A_42, %add3A_116 : i32
      %dma_start3A_118 = arith.constant 0 : i32
      %dma_start3A_119 = arith.constant 0 : i32
      %dma_start3A_120 = tpu.memref_slice %arg3[%add3A_38, %dma_start3A_118, %add3A_117, %dma_start3A_119] : memref<8x1x512x512xf32, #tpu.memory_space<hbm>> -> memref<1x1x64x512xf32, #tpu.memory_space<hbm>>
      %dma_start3A_121 = tpu.memref_squeeze %dma_start3A_120 : memref<1x1x64x512xf32, #tpu.memory_space<hbm>> -> memref<64x512xf32, #tpu.memory_space<hbm>>
      %dma_start3A_122 = arith.constant 0 : i32
      %dma_start3A_123 = tpu.memref_slice %arg3[%add3A_38, %dma_start3A_118, %add3A_117, %dma_start3A_122] : memref<8x1x512x512xf32, #tpu.memory_space<hbm>> -> memref<1x1x64x512xf32, #tpu.memory_space<hbm>>
      %dma_start3A_124 = tpu.memref_squeeze %dma_start3A_123 : memref<1x1x64x512xf32, #tpu.memory_space<hbm>> -> memref<64x512xf32, #tpu.memory_space<hbm>>
      tpu.enqueue_dma source(%dma_start3A_124 : memref<64x512xf32, #tpu.memory_space<hbm>>) target(%arg14 : memref<64x512xf32, #tpu.memory_space<vmem>>) target_semaphore(%arg17 : memref<!tpu.dma_semaphore, #tpu.memory_space<semaphore_mem>>)
      %dma_wait3A_125 = arith.constant 0 : i32
      %dma_wait3A_126 = arith.constant 0 : i32
      %dma_wait3A_127 = tpu.memref_slice %arg3[%add3A_38, %dma_wait3A_125, %add3A_108, %dma_wait3A_126] : memref<8x1x512x512xf32, #tpu.memory_space<hbm>> -> memref<1x1x64x512xf32, #tpu.memory_space<hbm>>
      %dma_wait3A_128 = tpu.memref_squeeze %dma_wait3A_127 : memref<1x1x64x512xf32, #tpu.memory_space<hbm>> -> memref<64x512xf32, #tpu.memory_space<hbm>>
      %dma_wait3A_129 = arith.constant 0 : i32
      %dma_wait3A_130 = tpu.memref_slice %arg3[%add3A_38, %dma_wait3A_125, %add3A_108, %dma_wait3A_129] : memref<8x1x512x512xf32, #tpu.memory_space<hbm>> -> memref<1x1x64x512xf32, #tpu.memory_space<hbm>>
      %dma_wait3A_131 = tpu.memref_squeeze %dma_wait3A_130 : memref<1x1x64x512xf32, #tpu.memory_space<hbm>> -> memref<64x512xf32, #tpu.memory_space<hbm>>
      tpu.wait_dma2 semaphore(%arg17 : memref<!tpu.dma_semaphore, #tpu.memory_space<semaphore_mem>>) src(%dma_wait3A_131 : memref<64x512xf32, #tpu.memory_space<hbm>>) dst(%arg13 : memref<64x512xf32, #tpu.memory_space<vmem>>)
      %scan3A_132 = arith.constant 0 : i32
      %scan3A_133 = arith.constant 0 : i32
      %scan3A_134 = arith.constant 64 : i32
      %scan3A_135 = arith.addi %scan3A_133, %scan3A_134 : i32
      %scan3A_136 = arith.constant 1 : i32
      scf.for %scan3A_203 = %scan3A_133 to %scan3A_135 step %scan3A_136  : i32 {
        %add3A_204 = arith.constant 0 : i32
        %add3A_205 = arith.addi %add3A_204, %scan3A_203 : i32
        %mul3A_206 = arith.constant 512 : i32
        %mul3A_207 = arith.muli %add3A_205, %mul3A_206 : i32
        %add3A_208 = arith.addi %add3A_50, %mul3A_207 : i32
        %dma_start3A_209 = arith.constant 0 : i32
        %dma_start3A_210 = tpu.memref_slice %arg13[%scan3A_203, %dma_start3A_209] : memref<64x512xf32, #tpu.memory_space<vmem>> -> memref<1x512xf32, #tpu.memory_space<vmem>>
        %dma_start3A_211 = tpu.memref_squeeze %dma_start3A_210 : memref<1x512xf32, #tpu.memory_space<vmem>> -> memref<512xf32, #tpu.memory_space<vmem>>
        %dma_start3A_212 = tpu.memref_slice %arg9[%add3A_208] : memref<4194304xf32, #tpu.memory_space<hbm>> -> memref<512xf32, #tpu.memory_space<hbm>>
        %dma_start3A_213 = tpu.memref_slice %arg9[%add3A_208] : memref<4194304xf32, #tpu.memory_space<hbm>> -> memref<512xf32, #tpu.memory_space<hbm>>
        %dma_start3A_214 = arith.constant 0 : i32
        %dma_start3A_215 = tpu.memref_slice %arg13[%scan3A_203, %dma_start3A_214] : memref<64x512xf32, #tpu.memory_space<vmem>> -> memref<1x512xf32, #tpu.memory_space<vmem>>
        %dma_start3A_216 = tpu.memref_squeeze %dma_start3A_215 : memref<1x512xf32, #tpu.memory_space<vmem>> -> memref<512xf32, #tpu.memory_space<vmem>>
        tpu.enqueue_dma source(%dma_start3A_216 : memref<512xf32, #tpu.memory_space<vmem>>) target(%dma_start3A_213 : memref<512xf32, #tpu.memory_space<hbm>>) target_semaphore(%arg18 : memref<!tpu.dma_semaphore, #tpu.memory_space<semaphore_mem>>)
      }
      %scan3A_137 = arith.constant 64 : i32
      %dma_wait3A_138 = arith.constant 0 : i32
      %dma_wait3A_139 = tpu.memref_slice %arg9[%dma_wait3A_138] : memref<4194304xf32, #tpu.memory_space<hbm>> -> memref<32768xf32, #tpu.memory_space<hbm>>
      %dma_wait3A_140 = arith.constant 0 : i32
      %dma_wait3A_141 = tpu.memref_slice %arg9[%dma_wait3A_140] : memref<4194304xf32, #tpu.memory_space<hbm>> -> memref<32768xf32, #tpu.memory_space<hbm>>
      tpu.wait_dma2 semaphore(%arg18 : memref<!tpu.dma_semaphore, #tpu.memory_space<semaphore_mem>>) src(%dma_wait3A_141 : memref<32768xf32, #tpu.memory_space<hbm>>) dst(%dma_wait3A_139 : memref<32768xf32, #tpu.memory_space<hbm>>)
      %add3A_142 = arith.constant 128 : i32
      %add3A_143 = arith.addi %mul3A_42, %add3A_142 : i32
      %dma_start3A_144 = arith.constant 0 : i32
      %dma_start3A_145 = arith.constant 0 : i32
      %dma_start3A_146 = tpu.memref_slice %arg3[%add3A_38, %dma_start3A_144, %add3A_143, %dma_start3A_145] : memref<8x1x512x512xf32, #tpu.memory_space<hbm>> -> memref<1x1x64x512xf32, #tpu.memory_space<hbm>>
      %dma_start3A_147 = tpu.memref_squeeze %dma_start3A_146 : memref<1x1x64x512xf32, #tpu.memory_space<hbm>> -> memref<64x512xf32, #tpu.memory_space<hbm>>
      %dma_start3A_148 = arith.constant 0 : i32
      %dma_start3A_149 = tpu.memref_slice %arg3[%add3A_38, %dma_start3A_144, %add3A_143, %dma_start3A_148] : memref<8x1x512x512xf32, #tpu.memory_space<hbm>> -> memref<1x1x64x512xf32, #tpu.memory_space<hbm>>
      %dma_start3A_150 = tpu.memref_squeeze %dma_start3A_149 : memref<1x1x64x512xf32, #tpu.memory_space<hbm>> -> memref<64x512xf32, #tpu.memory_space<hbm>>
      tpu.enqueue_dma source(%dma_start3A_150 : memref<64x512xf32, #tpu.memory_space<hbm>>) target(%arg13 : memref<64x512xf32, #tpu.memory_space<vmem>>) target_semaphore(%arg17 : memref<!tpu.dma_semaphore, #tpu.memory_space<semaphore_mem>>)
      %dma_wait3A_151 = arith.constant 0 : i32
      %dma_wait3A_152 = arith.constant 0 : i32
      %dma_wait3A_153 = tpu.memref_slice %arg3[%add3A_38, %dma_wait3A_151, %add3A_117, %dma_wait3A_152] : memref<8x1x512x512xf32, #tpu.memory_space<hbm>> -> memref<1x1x64x512xf32, #tpu.memory_space<hbm>>
      %dma_wait3A_154 = tpu.memref_squeeze %dma_wait3A_153 : memref<1x1x64x512xf32, #tpu.memory_space<hbm>> -> memref<64x512xf32, #tpu.memory_space<hbm>>
      %dma_wait3A_155 = arith.constant 0 : i32
      %dma_wait3A_156 = tpu.memref_slice %arg3[%add3A_38, %dma_wait3A_151, %add3A_117, %dma_wait3A_155] : memref<8x1x512x512xf32, #tpu.memory_space<hbm>> -> memref<1x1x64x512xf32, #tpu.memory_space<hbm>>
      %dma_wait3A_157 = tpu.memref_squeeze %dma_wait3A_156 : memref<1x1x64x512xf32, #tpu.memory_space<hbm>> -> memref<64x512xf32, #tpu.memory_space<hbm>>
      tpu.wait_dma2 semaphore(%arg17 : memref<!tpu.dma_semaphore, #tpu.memory_space<semaphore_mem>>) src(%dma_wait3A_157 : memref<64x512xf32, #tpu.memory_space<hbm>>) dst(%arg14 : memref<64x512xf32, #tpu.memory_space<vmem>>)
      %scan3A_158 = arith.constant 0 : i32
      %scan3A_159 = arith.constant 0 : i32
      %scan3A_160 = arith.constant 64 : i32
      %scan3A_161 = arith.addi %scan3A_159, %scan3A_160 : i32
      %scan3A_162 = arith.constant 1 : i32
      scf.for %scan3A_203 = %scan3A_159 to %scan3A_161 step %scan3A_162  : i32 {
        %add3A_204 = arith.constant 64 : i32
        %add3A_205 = arith.addi %add3A_204, %scan3A_203 : i32
        %mul3A_206 = arith.constant 512 : i32
        %mul3A_207 = arith.muli %add3A_205, %mul3A_206 : i32
        %add3A_208 = arith.addi %add3A_50, %mul3A_207 : i32
        %dma_start3A_209 = arith.constant 0 : i32
        %dma_start3A_210 = tpu.memref_slice %arg14[%scan3A_203, %dma_start3A_209] : memref<64x512xf32, #tpu.memory_space<vmem>> -> memref<1x512xf32, #tpu.memory_space<vmem>>
        %dma_start3A_211 = tpu.memref_squeeze %dma_start3A_210 : memref<1x512xf32, #tpu.memory_space<vmem>> -> memref<512xf32, #tpu.memory_space<vmem>>
        %dma_start3A_212 = tpu.memref_slice %arg9[%add3A_208] : memref<4194304xf32, #tpu.memory_space<hbm>> -> memref<512xf32, #tpu.memory_space<hbm>>
        %dma_start3A_213 = tpu.memref_slice %arg9[%add3A_208] : memref<4194304xf32, #tpu.memory_space<hbm>> -> memref<512xf32, #tpu.memory_space<hbm>>
        %dma_start3A_214 = arith.constant 0 : i32
        %dma_start3A_215 = tpu.memref_slice %arg14[%scan3A_203, %dma_start3A_214] : memref<64x512xf32, #tpu.memory_space<vmem>> -> memref<1x512xf32, #tpu.memory_space<vmem>>
        %dma_start3A_216 = tpu.memref_squeeze %dma_start3A_215 : memref<1x512xf32, #tpu.memory_space<vmem>> -> memref<512xf32, #tpu.memory_space<vmem>>
        tpu.enqueue_dma source(%dma_start3A_216 : memref<512xf32, #tpu.memory_space<vmem>>) target(%dma_start3A_213 : memref<512xf32, #tpu.memory_space<hbm>>) target_semaphore(%arg18 : memref<!tpu.dma_semaphore, #tpu.memory_space<semaphore_mem>>)
      }
      %scan3A_163 = arith.constant 64 : i32
      %dma_wait3A_164 = arith.constant 0 : i32
      %dma_wait3A_165 = tpu.memref_slice %arg9[%dma_wait3A_164] : memref<4194304xf32, #tpu.memory_space<hbm>> -> memref<32768xf32, #tpu.memory_space<hbm>>
      %dma_wait3A_166 = arith.constant 0 : i32
      %dma_wait3A_167 = tpu.memref_slice %arg9[%dma_wait3A_166] : memref<4194304xf32, #tpu.memory_space<hbm>> -> memref<32768xf32, #tpu.memory_space<hbm>>
      tpu.wait_dma2 semaphore(%arg18 : memref<!tpu.dma_semaphore, #tpu.memory_space<semaphore_mem>>) src(%dma_wait3A_167 : memref<32768xf32, #tpu.memory_space<hbm>>) dst(%dma_wait3A_165 : memref<32768xf32, #tpu.memory_space<hbm>>)
      %add3A_168 = arith.constant 192 : i32
      %add3A_169 = arith.addi %mul3A_42, %add3A_168 : i32
      %dma_start3A_170 = arith.constant 0 : i32
      %dma_start3A_171 = arith.constant 0 : i32
      %dma_start3A_172 = tpu.memref_slice %arg3[%add3A_38, %dma_start3A_170, %add3A_169, %dma_start3A_171] : memref<8x1x512x512xf32, #tpu.memory_space<hbm>> -> memref<1x1x64x512xf32, #tpu.memory_space<hbm>>
      %dma_start3A_173 = tpu.memref_squeeze %dma_start3A_172 : memref<1x1x64x512xf32, #tpu.memory_space<hbm>> -> memref<64x512xf32, #tpu.memory_space<hbm>>
      %dma_start3A_174 = arith.constant 0 : i32
      %dma_start3A_175 = tpu.memref_slice %arg3[%add3A_38, %dma_start3A_170, %add3A_169, %dma_start3A_174] : memref<8x1x512x512xf32, #tpu.memory_space<hbm>> -> memref<1x1x64x512xf32, #tpu.memory_space<hbm>>
      %dma_start3A_176 = tpu.memref_squeeze %dma_start3A_175 : memref<1x1x64x512xf32, #tpu.memory_space<hbm>> -> memref<64x512xf32, #tpu.memory_space<hbm>>
      tpu.enqueue_dma source(%dma_start3A_176 : memref<64x512xf32, #tpu.memory_space<hbm>>) target(%arg14 : memref<64x512xf32, #tpu.memory_space<vmem>>) target_semaphore(%arg17 : memref<!tpu.dma_semaphore, #tpu.memory_space<semaphore_mem>>)
      %dma_wait3A_177 = arith.constant 0 : i32
      %dma_wait3A_178 = arith.constant 0 : i32
      %dma_wait3A_179 = tpu.memref_slice %arg3[%add3A_38, %dma_wait3A_177, %add3A_143, %dma_wait3A_178] : memref<8x1x512x512xf32, #tpu.memory_space<hbm>> -> memref<1x1x64x512xf32, #tpu.memory_space<hbm>>
      %dma_wait3A_180 = tpu.memref_squeeze %dma_wait3A_179 : memref<1x1x64x512xf32, #tpu.memory_space<hbm>> -> memref<64x512xf32, #tpu.memory_space<hbm>>
      %dma_wait3A_181 = arith.constant 0 : i32
      %dma_wait3A_182 = tpu.memref_slice %arg3[%add3A_38, %dma_wait3A_177, %add3A_143, %dma_wait3A_181] : memref<8x1x512x512xf32, #tpu.memory_space<hbm>> -> memref<1x1x64x512xf32, #tpu.memory_space<hbm>>
      %dma_wait3A_183 = tpu.memref_squeeze %dma_wait3A_182 : memref<1x1x64x512xf32, #tpu.memory_space<hbm>> -> memref<64x512xf32, #tpu.memory_space<hbm>>
      tpu.wait_dma2 semaphore(%arg17 : memref<!tpu.dma_semaphore, #tpu.memory_space<semaphore_mem>>) src(%dma_wait3A_183 : memref<64x512xf32, #tpu.memory_space<hbm>>) dst(%arg13 : memref<64x512xf32, #tpu.memory_space<vmem>>)
      %scan3A_184 = arith.constant 0 : i32
      %scan3A_185 = arith.constant 0 : i32
      %scan3A_186 = arith.constant 64 : i32
      %scan3A_187 = arith.addi %scan3A_185, %scan3A_186 : i32
      %scan3A_188 = arith.constant 1 : i32
      scf.for %scan3A_203 = %scan3A_185 to %scan3A_187 step %scan3A_188  : i32 {
        %add3A_204 = arith.constant 128 : i32
        %add3A_205 = arith.addi %add3A_204, %scan3A_203 : i32
        %mul3A_206 = arith.constant 512 : i32
        %mul3A_207 = arith.muli %add3A_205, %mul3A_206 : i32
        %add3A_208 = arith.addi %add3A_50, %mul3A_207 : i32
        %dma_start3A_209 = arith.constant 0 : i32
        %dma_start3A_210 = tpu.memref_slice %arg13[%scan3A_203, %dma_start3A_209] : memref<64x512xf32, #tpu.memory_space<vmem>> -> memref<1x512xf32, #tpu.memory_space<vmem>>
        %dma_start3A_211 = tpu.memref_squeeze %dma_start3A_210 : memref<1x512xf32, #tpu.memory_space<vmem>> -> memref<512xf32, #tpu.memory_space<vmem>>
        %dma_start3A_212 = tpu.memref_slice %arg9[%add3A_208] : memref<4194304xf32, #tpu.memory_space<hbm>> -> memref<512xf32, #tpu.memory_space<hbm>>
        %dma_start3A_213 = tpu.memref_slice %arg9[%add3A_208] : memref<4194304xf32, #tpu.memory_space<hbm>> -> memref<512xf32, #tpu.memory_space<hbm>>
        %dma_start3A_214 = arith.constant 0 : i32
        %dma_start3A_215 = tpu.memref_slice %arg13[%scan3A_203, %dma_start3A_214] : memref<64x512xf32, #tpu.memory_space<vmem>> -> memref<1x512xf32, #tpu.memory_space<vmem>>
        %dma_start3A_216 = tpu.memref_squeeze %dma_start3A_215 : memref<1x512xf32, #tpu.memory_space<vmem>> -> memref<512xf32, #tpu.memory_space<vmem>>
        tpu.enqueue_dma source(%dma_start3A_216 : memref<512xf32, #tpu.memory_space<vmem>>) target(%dma_start3A_213 : memref<512xf32, #tpu.memory_space<hbm>>) target_semaphore(%arg18 : memref<!tpu.dma_semaphore, #tpu.memory_space<semaphore_mem>>)
      }
      %scan3A_189 = arith.constant 64 : i32
      %dma_wait3A_190 = arith.constant 0 : i32
      %dma_wait3A_191 = arith.constant 0 : i32
      %dma_wait3A_192 = tpu.memref_slice %arg3[%add3A_38, %dma_wait3A_190, %add3A_169, %dma_wait3A_191] : memref<8x1x512x512xf32, #tpu.memory_space<hbm>> -> memref<1x1x64x512xf32, #tpu.memory_space<hbm>>
      %dma_wait3A_193 = tpu.memref_squeeze %dma_wait3A_192 : memref<1x1x64x512xf32, #tpu.memory_space<hbm>> -> memref<64x512xf32, #tpu.memory_space<hbm>>
      %dma_wait3A_194 = arith.constant 0 : i32
      %dma_wait3A_195 = tpu.memref_slice %arg3[%add3A_38, %dma_wait3A_190, %add3A_169, %dma_wait3A_194] : memref<8x1x512x512xf32, #tpu.memory_space<hbm>> -> memref<1x1x64x512xf32, #tpu.memory_space<hbm>>
      %dma_wait3A_196 = tpu.memref_squeeze %dma_wait3A_195 : memref<1x1x64x512xf32, #tpu.memory_space<hbm>> -> memref<64x512xf32, #tpu.memory_space<hbm>>
      tpu.wait_dma2 semaphore(%arg17 : memref<!tpu.dma_semaphore, #tpu.memory_space<semaphore_mem>>) src(%dma_wait3A_196 : memref<64x512xf32, #tpu.memory_space<hbm>>) dst(%arg14 : memref<64x512xf32, #tpu.memory_space<vmem>>)
      %scan3A_197 = arith.constant 0 : i32
      %scan3A_198 = arith.constant 0 : i32
      %scan3A_199 = arith.constant 64 : i32
      %scan3A_200 = arith.addi %scan3A_198, %scan3A_199 : i32
      %scan3A_201 = arith.constant 1 : i32
      scf.for %scan3A_203 = %scan3A_198 to %scan3A_200 step %scan3A_201  : i32 {
        %add3A_204 = arith.constant 192 : i32
        %add3A_205 = arith.addi %add3A_204, %scan3A_203 : i32
        %mul3A_206 = arith.constant 512 : i32
        %mul3A_207 = arith.muli %add3A_205, %mul3A_206 : i32
        %add3A_208 = arith.addi %add3A_50, %mul3A_207 : i32
        %dma_start3A_209 = arith.constant 0 : i32
        %dma_start3A_210 = tpu.memref_slice %arg14[%scan3A_203, %dma_start3A_209] : memref<64x512xf32, #tpu.memory_space<vmem>> -> memref<1x512xf32, #tpu.memory_space<vmem>>
        %dma_start3A_211 = tpu.memref_squeeze %dma_start3A_210 : memref<1x512xf32, #tpu.memory_space<vmem>> -> memref<512xf32, #tpu.memory_space<vmem>>
        %dma_start3A_212 = tpu.memref_slice %arg9[%add3A_208] : memref<4194304xf32, #tpu.memory_space<hbm>> -> memref<512xf32, #tpu.memory_space<hbm>>
        %dma_start3A_213 = tpu.memref_slice %arg9[%add3A_208] : memref<4194304xf32, #tpu.memory_space<hbm>> -> memref<512xf32, #tpu.memory_space<hbm>>
        %dma_start3A_214 = arith.constant 0 : i32
        %dma_start3A_215 = tpu.memref_slice %arg14[%scan3A_203, %dma_start3A_214] : memref<64x512xf32, #tpu.memory_space<vmem>> -> memref<1x512xf32, #tpu.memory_space<vmem>>
        %dma_start3A_216 = tpu.memref_squeeze %dma_start3A_215 : memref<1x512xf32, #tpu.memory_space<vmem>> -> memref<512xf32, #tpu.memory_space<vmem>>
        tpu.enqueue_dma source(%dma_start3A_216 : memref<512xf32, #tpu.memory_space<vmem>>) target(%dma_start3A_213 : memref<512xf32, #tpu.memory_space<hbm>>) target_semaphore(%arg18 : memref<!tpu.dma_semaphore, #tpu.memory_space<semaphore_mem>>)
      }
      %scan3A_202 = arith.constant 64 : i32
    } else {
    }
    %dma_wait3A = arith.constant 0 : i32
    %dma_wait3A_58 = tpu.memref_slice %arg9[%dma_wait3A] : memref<4194304xf32, #tpu.memory_space<hbm>> -> memref<65536xf32, #tpu.memory_space<hbm>>
    %dma_wait3A_59 = arith.constant 0 : i32
    %dma_wait3A_60 = tpu.memref_slice %arg9[%dma_wait3A_59] : memref<4194304xf32, #tpu.memory_space<hbm>> -> memref<65536xf32, #tpu.memory_space<hbm>>
    tpu.wait_dma2 semaphore(%arg18 : memref<!tpu.dma_semaphore, #tpu.memory_space<semaphore_mem>>) src(%dma_wait3A_60 : memref<65536xf32, #tpu.memory_space<hbm>>) dst(%dma_wait3A_58 : memref<65536xf32, #tpu.memory_space<hbm>>)
    %dma_wait3A_61 = arith.constant 0 : i32
    %dma_wait3A_62 = tpu.memref_slice %arg10[%dma_wait3A_61] : memref<2304xi32, #tpu.memory_space<vmem>> -> memref<2048xi32, #tpu.memory_space<vmem>>
    %dma_wait3A_63 = tpu.memref_slice %arg4[%mul3A_2] : memref<65536xi32, #tpu.memory_space<hbm>> -> memref<2048xi32, #tpu.memory_space<hbm>>
    %dma_wait3A_64 = arith.constant 0 : i32
    %dma_wait3A_65 = tpu.memref_slice %arg10[%dma_wait3A_64] : memref<2304xi32, #tpu.memory_space<vmem>> -> memref<2048xi32, #tpu.memory_space<vmem>>
    %dma_wait3A_66 = tpu.memref_slice %arg4[%mul3A_2] : memref<65536xi32, #tpu.memory_space<hbm>> -> memref<2048xi32, #tpu.memory_space<hbm>>
    tpu.wait_dma2 semaphore(%arg15 : memref<!tpu.dma_semaphore, #tpu.memory_space<semaphore_mem>>) src(%dma_wait3A_66 : memref<2048xi32, #tpu.memory_space<hbm>>) dst(%dma_wait3A_65 : memref<2048xi32, #tpu.memory_space<vmem>>)
    %dma_wait3A_67 = arith.constant 0 : i32
    %dma_wait3A_68 = tpu.memref_slice %arg11[%dma_wait3A_67] : memref<2304xi32, #tpu.memory_space<vmem>> -> memref<2048xi32, #tpu.memory_space<vmem>>
    %dma_wait3A_69 = tpu.memref_slice %arg5[%mul3A_9] : memref<65536xi32, #tpu.memory_space<hbm>> -> memref<2048xi32, #tpu.memory_space<hbm>>
    %dma_wait3A_70 = arith.constant 0 : i32
    %dma_wait3A_71 = tpu.memref_slice %arg11[%dma_wait3A_70] : memref<2304xi32, #tpu.memory_space<vmem>> -> memref<2048xi32, #tpu.memory_space<vmem>>
    %dma_wait3A_72 = tpu.memref_slice %arg5[%mul3A_9] : memref<65536xi32, #tpu.memory_space<hbm>> -> memref<2048xi32, #tpu.memory_space<hbm>>
    tpu.wait_dma2 semaphore(%arg15 : memref<!tpu.dma_semaphore, #tpu.memory_space<semaphore_mem>>) src(%dma_wait3A_72 : memref<2048xi32, #tpu.memory_space<hbm>>) dst(%dma_wait3A_71 : memref<2048xi32, #tpu.memory_space<vmem>>)
    %dma_wait3A_73 = arith.constant 2048 : i32
    %dma_wait3A_74 = tpu.memref_slice %arg10[%dma_wait3A_73] : memref<2304xi32, #tpu.memory_space<vmem>> -> memref<256xi32, #tpu.memory_space<vmem>>
    %dma_wait3A_75 = tpu.memref_slice %arg6[%mul3A_17] : memref<8192xi32, #tpu.memory_space<hbm>> -> memref<256xi32, #tpu.memory_space<hbm>>
    %dma_wait3A_76 = arith.constant 2048 : i32
    %dma_wait3A_77 = tpu.memref_slice %arg10[%dma_wait3A_76] : memref<2304xi32, #tpu.memory_space<vmem>> -> memref<256xi32, #tpu.memory_space<vmem>>
    %dma_wait3A_78 = tpu.memref_slice %arg6[%mul3A_17] : memref<8192xi32, #tpu.memory_space<hbm>> -> memref<256xi32, #tpu.memory_space<hbm>>
    tpu.wait_dma2 semaphore(%arg15 : memref<!tpu.dma_semaphore, #tpu.memory_space<semaphore_mem>>) src(%dma_wait3A_78 : memref<256xi32, #tpu.memory_space<hbm>>) dst(%dma_wait3A_77 : memref<256xi32, #tpu.memory_space<vmem>>)
    %dma_wait3A_79 = arith.constant 2048 : i32
    %dma_wait3A_80 = tpu.memref_slice %arg11[%dma_wait3A_79] : memref<2304xi32, #tpu.memory_space<vmem>> -> memref<256xi32, #tpu.memory_space<vmem>>
    %dma_wait3A_81 = tpu.memref_slice %arg7[%mul3A_25] : memref<8192xi32, #tpu.memory_space<hbm>> -> memref<256xi32, #tpu.memory_space<hbm>>
    %dma_wait3A_82 = arith.constant 2048 : i32
    %dma_wait3A_83 = tpu.memref_slice %arg11[%dma_wait3A_82] : memref<2304xi32, #tpu.memory_space<vmem>> -> memref<256xi32, #tpu.memory_space<vmem>>
    %dma_wait3A_84 = tpu.memref_slice %arg7[%mul3A_25] : memref<8192xi32, #tpu.memory_space<hbm>> -> memref<256xi32, #tpu.memory_space<hbm>>
    tpu.wait_dma2 semaphore(%arg15 : memref<!tpu.dma_semaphore, #tpu.memory_space<semaphore_mem>>) src(%dma_wait3A_84 : memref<256xi32, #tpu.memory_space<hbm>>) dst(%dma_wait3A_83 : memref<256xi32, #tpu.memory_space<vmem>>)
    %barrier3A = arith.constant 0 : index
    tpu.barrier barrier_id(%barrier3A)
    %scan3A = arith.constant 0 : i32
    %scan3A_85 = arith.constant 0 : i32
    %scan3A_86 = arith.constant 18 : i32
    %scan3A_87 = arith.addi %scan3A_85, %scan3A_86 : i32
    %scan3A_88 = arith.constant 1 : i32
    scf.for %scan3A_107 = %scan3A_85 to %scan3A_87 step %scan3A_88  : i32 {
      %mul3A_108 = arith.constant 128 : i32
      %mul3A_109 = arith.muli %scan3A_107, %mul3A_108 : i32
      %dma_start3A_110 = tpu.memref_slice %arg12[%mul3A_109] : memref<4608xf32, #tpu.memory_space<vmem>> -> memref<128xf32, #tpu.memory_space<vmem>>
      %dma_start3A_111 = tpu.memref_slice %arg10[%mul3A_109] : memref<2304xi32, #tpu.memory_space<vmem>> -> memref<128xi32, #tpu.memory_space<vmem>>
      %dma_start3A_112 = arith.constant 0 : i32
      %dma_start3A_113 = tpu.memref_slice %arg9[%dma_start3A_112] : memref<4194304xf32, #tpu.memory_space<hbm>> -> memref<4194304xf32, #tpu.memory_space<hbm>>
      tpu.enqueue_indirect_dma source(%dma_start3A_113 : memref<4194304xf32, #tpu.memory_space<hbm>>) target(%dma_start3A_110 : memref<128xf32, #tpu.memory_space<vmem>>) offsets(%dma_start3A_111 : memref<128xi32, #tpu.memory_space<vmem>>) semaphore(%arg16 : memref<!tpu.dma_semaphore, #tpu.memory_space<semaphore_mem>>)
      %mul3A_114 = arith.constant 128 : i32
      %mul3A_115 = arith.muli %scan3A_107, %mul3A_114 : i32
      %add3A_116 = arith.constant 2304 : i32
      %add3A_117 = arith.addi %add3A_116, %mul3A_115 : i32
      %dma_start3A_118 = tpu.memref_slice %arg12[%add3A_117] : memref<4608xf32, #tpu.memory_space<vmem>> -> memref<128xf32, #tpu.memory_space<vmem>>
      %dma_start3A_119 = tpu.memref_slice %arg11[%mul3A_109] : memref<2304xi32, #tpu.memory_space<vmem>> -> memref<128xi32, #tpu.memory_space<vmem>>
      %dma_start3A_120 = arith.constant 0 : i32
      %dma_start3A_121 = tpu.memref_slice %arg9[%dma_start3A_120] : memref<4194304xf32, #tpu.memory_space<hbm>> -> memref<4194304xf32, #tpu.memory_space<hbm>>
      tpu.enqueue_indirect_dma source(%dma_start3A_121 : memref<4194304xf32, #tpu.memory_space<hbm>>) target(%dma_start3A_118 : memref<128xf32, #tpu.memory_space<vmem>>) offsets(%dma_start3A_119 : memref<128xi32, #tpu.memory_space<vmem>>) semaphore(%arg16 : memref<!tpu.dma_semaphore, #tpu.memory_space<semaphore_mem>>)
    }
    %scan3A_89 = arith.constant 18 : i32
    %dma_wait3A_90 = arith.constant 0 : i32
    %dma_wait3A_91 = tpu.memref_slice %arg9[%dma_wait3A_90] : memref<4194304xf32, #tpu.memory_space<hbm>> -> memref<4608xf32, #tpu.memory_space<hbm>>
    %dma_wait3A_92 = arith.constant 0 : i32
    %dma_wait3A_93 = tpu.memref_slice %arg9[%dma_wait3A_92] : memref<4194304xf32, #tpu.memory_space<hbm>> -> memref<4608xf32, #tpu.memory_space<hbm>>
    tpu.wait_dma2 semaphore(%arg16 : memref<!tpu.dma_semaphore, #tpu.memory_space<semaphore_mem>>) src(%dma_wait3A_93 : memref<4608xf32, #tpu.memory_space<hbm>>) dst(%arg12 : memref<4608xf32, #tpu.memory_space<vmem>>)
    %broadcast_in_dim3A = arith.constant 0.000000e+00 : f32
    %broadcast_in_dim3A_94 = vector.broadcast %broadcast_in_dim3A : f32 to vector<16xf32>
    %scan3A_95 = arith.constant 0 : i32
    %scan3A_96 = arith.constant 128 : i32
    %scan3A_97 = arith.addi %scan3A_95, %scan3A_96 : i32
    %scan3A_98 = arith.constant 1 : i32
    %scan3A_99 = scf.for %scan3A_107 = %scan3A_95 to %scan3A_97 step %scan3A_98 iter_args(%scan3A_108 = %broadcast_in_dim3A_94) -> (vector<16xf32>)  : i32 {
      %mul3A_109 = arith.constant 16 : i32
      %mul3A_110 = arith.muli %scan3A_107, %mul3A_109 : i32
      %get3A = arith.index_cast %mul3A_110 : i32 to index
      %get3A_111 = tpu.vector_load %arg12[%get3A] {strides = array<i32>} : memref<4608xf32, #tpu.memory_space<vmem>>, vector<16xf32>,
      %get3A_112 = vector.shape_cast %get3A_111 : vector<16xf32> to vector<16xf32>
      %mul3A_113 = arith.constant 16 : i32
      %mul3A_114 = arith.muli %scan3A_107, %mul3A_113 : i32
      %add3A_115 = arith.constant 2304 : i32
      %add3A_116 = arith.addi %add3A_115, %mul3A_114 : i32
      %get3A_117 = arith.index_cast %add3A_116 : i32 to index
      %get3A_118 = tpu.vector_load %arg12[%get3A_117] {strides = array<i32>} : memref<4608xf32, #tpu.memory_space<vmem>>, vector<16xf32>,
      %get3A_119 = vector.shape_cast %get3A_118 : vector<16xf32> to vector<16xf32>
      %neg3A = arith.constant 0.000000e+00 : f32
      %neg3A_120 = vector.broadcast %neg3A : f32 to vector<16xf32>
      %neg3A_121 = arith.subf %neg3A_120, %get3A_112 : vector<16xf32>
      %exp3A = math.exp %neg3A_121 : vector<16xf32>
      %add3A_122 = arith.constant 1.000000e+00 : f32
      %add3A_123 = vector.broadcast %add3A_122 : f32 to vector<16xf32>
      %add3A_124 = arith.addf %add3A_123, %exp3A : vector<16xf32>
      %div3A = arith.constant 1.000000e+00 : f32
      %div3A_125 = vector.broadcast %div3A : f32 to vector<16xf32>
      %div3A_126 = arith.divf %div3A_125, %add3A_124 : vector<16xf32>
      %sub3A = arith.subf %div3A_126, %get3A_119 : vector<16xf32>
      %mul3A_127 = arith.mulf %sub3A, %sub3A : vector<16xf32>
      %mul3A_128 = arith.constant 2.000000e+00 : f32
      %mul3A_129 = vector.broadcast %mul3A_128 : f32 to vector<16xf32>
      %mul3A_130 = arith.mulf %mul3A_129, %mul3A_127 : vector<16xf32>
      %add3A_131 = arith.addf %scan3A_108, %mul3A_130 : vector<16xf32>
      scf.yield %add3A_131 : vector<16xf32>
    }
    %scan3A_100 = arith.constant 128 : i32
    %scan3A_101 = arith.constant 128 : i32
    %scan3A_102 = arith.constant 16 : i32
    %scan3A_103 = arith.addi %scan3A_101, %scan3A_102 : i32
    %scan3A_104 = arith.constant 1 : i32
    %scan3A_105 = scf.for %scan3A_107 = %scan3A_101 to %scan3A_103 step %scan3A_104 iter_args(%scan3A_108 = %scan3A_99) -> (vector<16xf32>)  : i32 {
      %mul3A_109 = arith.constant 16 : i32
      %mul3A_110 = arith.muli %scan3A_107, %mul3A_109 : i32
      %get3A = arith.index_cast %mul3A_110 : i32 to index
      %get3A_111 = tpu.vector_load %arg12[%get3A] {strides = array<i32>} : memref<4608xf32, #tpu.memory_space<vmem>>, vector<16xf32>,
      %get3A_112 = vector.shape_cast %get3A_111 : vector<16xf32> to vector<16xf32>
      %mul3A_113 = arith.constant 16 : i32
      %mul3A_114 = arith.muli %scan3A_107, %mul3A_113 : i32
      %add3A_115 = arith.constant 2304 : i32
      %add3A_116 = arith.addi %add3A_115, %mul3A_114 : i32
      %get3A_117 = arith.index_cast %add3A_116 : i32 to index
      %get3A_118 = tpu.vector_load %arg12[%get3A_117] {strides = array<i32>} : memref<4608xf32, #tpu.memory_space<vmem>>, vector<16xf32>,
      %get3A_119 = vector.shape_cast %get3A_118 : vector<16xf32> to vector<16xf32>
      %neg3A = arith.constant 0.000000e+00 : f32
      %neg3A_120 = vector.broadcast %neg3A : f32 to vector<16xf32>
      %neg3A_121 = arith.subf %neg3A_120, %get3A_112 : vector<16xf32>
      %exp3A = math.exp %neg3A_121 : vector<16xf32>
      %add3A_122 = arith.constant 1.000000e+00 : f32
      %add3A_123 = vector.broadcast %add3A_122 : f32 to vector<16xf32>
      %add3A_124 = arith.addf %add3A_123, %exp3A : vector<16xf32>
      %div3A = arith.constant 1.000000e+00 : f32
      %div3A_125 = vector.broadcast %div3A : f32 to vector<16xf32>
      %div3A_126 = arith.divf %div3A_125, %add3A_124 : vector<16xf32>
      %neg3A_127 = arith.constant 0.000000e+00 : f32
      %neg3A_128 = vector.broadcast %neg3A_127 : f32 to vector<16xf32>
      %neg3A_129 = arith.subf %neg3A_128, %get3A_119 : vector<16xf32>
      %exp3A_130 = math.exp %neg3A_129 : vector<16xf32>
      %add3A_131 = arith.constant 1.000000e+00 : f32
      %add3A_132 = vector.broadcast %add3A_131 : f32 to vector<16xf32>
      %add3A_133 = arith.addf %add3A_132, %exp3A_130 : vector<16xf32>
      %div3A_134 = arith.constant 1.000000e+00 : f32
      %div3A_135 = vector.broadcast %div3A_134 : f32 to vector<16xf32>
      %div3A_136 = arith.divf %div3A_135, %add3A_133 : vector<16xf32>
      %sub3A = arith.subf %div3A_126, %div3A_136 : vector<16xf32>
      %mul3A_137 = arith.mulf %sub3A, %sub3A : vector<16xf32>
      %add3A_138 = arith.addf %scan3A_108, %mul3A_137 : vector<16xf32>
      scf.yield %add3A_138 : vector<16xf32>
    }
    %scan3A_106 = arith.constant 16 : i32
    "tpu.region"() ({
      %run_scoped3A = memref.alloca() : memref<16xf32, #tpu.memory_space<vmem>>
      %swap3A = arith.constant 0 : index
      %swap3A_107 = tpu.vector_load %run_scoped3A[%swap3A] {strides = array<i32>} : memref<16xf32, #tpu.memory_space<vmem>>, vector<16xf32>,
      %swap3A_108 = vector.shape_cast %swap3A_107 : vector<16xf32> to vector<16xf32>
      %swap3A_109 = vector.shape_cast %scan3A_105 : vector<16xf32> to vector<16xf32>
      tpu.vector_store %run_scoped3A[%swap3A], %swap3A_109 {strides = array<i32>} : memref<16xf32, #tpu.memory_space<vmem>>, vector<16xf32>,
      "tpu.region"() ({
        %run_scoped3A_110 = tpu.sem_alloc : memref<!tpu.dma_semaphore, #tpu.memory_space<semaphore_mem>>
        %dma_start3A_111 = arith.constant 0 : i32
        %dma_start3A_112 = tpu.memref_slice %arg8[%add3A, %dma_start3A_111] : memref<32x16xf32, #tpu.memory_space<hbm>> -> memref<1x16xf32, #tpu.memory_space<hbm>>
        %dma_start3A_113 = tpu.memref_squeeze %dma_start3A_112 : memref<1x16xf32, #tpu.memory_space<hbm>> -> memref<16xf32, #tpu.memory_space<hbm>>
        %dma_start3A_114 = arith.constant 0 : i32
        %dma_start3A_115 = tpu.memref_slice %arg8[%add3A, %dma_start3A_114] : memref<32x16xf32, #tpu.memory_space<hbm>> -> memref<1x16xf32, #tpu.memory_space<hbm>>
        %dma_start3A_116 = tpu.memref_squeeze %dma_start3A_115 : memref<1x16xf32, #tpu.memory_space<hbm>> -> memref<16xf32, #tpu.memory_space<hbm>>
        tpu.enqueue_dma source(%run_scoped3A : memref<16xf32, #tpu.memory_space<vmem>>) target(%dma_start3A_116 : memref<16xf32, #tpu.memory_space<hbm>>) target_semaphore(%run_scoped3A_110 : memref<!tpu.dma_semaphore, #tpu.memory_space<semaphore_mem>>)
        %dma_wait3A_117 = arith.constant 0 : i32
        %dma_wait3A_118 = tpu.memref_slice %arg8[%add3A, %dma_wait3A_117] : memref<32x16xf32, #tpu.memory_space<hbm>> -> memref<1x16xf32, #tpu.memory_space<hbm>>
        %dma_wait3A_119 = tpu.memref_squeeze %dma_wait3A_118 : memref<1x16xf32, #tpu.memory_space<hbm>> -> memref<16xf32, #tpu.memory_space<hbm>>
        %dma_wait3A_120 = arith.constant 0 : i32
        %dma_wait3A_121 = tpu.memref_slice %arg8[%add3A, %dma_wait3A_120] : memref<32x16xf32, #tpu.memory_space<hbm>> -> memref<1x16xf32, #tpu.memory_space<hbm>>
        %dma_wait3A_122 = tpu.memref_squeeze %dma_wait3A_121 : memref<1x16xf32, #tpu.memory_space<hbm>> -> memref<16xf32, #tpu.memory_space<hbm>>
        tpu.wait_dma2 semaphore(%run_scoped3A_110 : memref<!tpu.dma_semaphore, #tpu.memory_space<semaphore_mem>>) src(%run_scoped3A : memref<16xf32, #tpu.memory_space<vmem>>) dst(%dma_wait3A_122 : memref<16xf32, #tpu.memory_space<hbm>>)
        tpu.yield
      }) : () -> ()
      tpu.yield
    }) : () -> ()
    return
  }
}

</mosaic_0001>

<sc_bundles>
// kernel: kernel.3.cloned.1.call-start
scs
__scs_entry_jumppad:
0x0: {  	(pc) =	sbr.rel $0x88, $3  }
0x1: {  	(tag) =	ssettag $0x0;
	lr =	simm.s32 $0x1  }
0x2: {  	[smem:$0x3F99] =	sst lr;
	_ =	strace $0xD0000000  }
0x3: {  	_ = 	snop  }
0x4: {  	_ = 	snop  }
0x5: {  	_ = 	snop  }
0x6: {  	_ = 	snop  }
0x7: {  	_ = 	snop  }
__scs_overlays_trampoline_lowered:
0x8: {  	[smem:$0x3FA8] =	sst s0  }
0x9: {  	[smem:$0x3FA9] =	sst s1  }
0xa: {  	[smem:$0x3FAA] =	sst s2  }
0xb: {  	[smem:$0x3FAB] =	sst s3  }
0xc: {  	[smem:$0x3FAC] =	sst s4  }
0xd: {  	[smem:$0x3FAD] =	sst s5  }
0xe: {  	[smem:$0x3FAE] =	sst s6  }
0xf: {  	[smem:$0x3FAF] =	sst s7  }
0x10: {  	[smem:$0x3FB0] =	sst s8  }
0x11: {  	[smem:$0x3FB1] =	sst s9;
	s0 =	simm.s32 @!p0 $0x0  }
0x12: {  	s1 =	sld [smem:$0x3F97];
	s0 =	simm.s32 @p0 $0x1  }
0x13: {  	[smem:$0x3FB2] =	sst s0;
	s0 =	simm.s32 @!p1 $0x0  }
0x14: {  	s2 =	sld [smem:$0x3F96];
	s0 =	simm.s32 @p1 $0x1  }
0x15: {  	[smem:$0x3FB3] =	sst s0;
	s0 =	simm.s32 @!p2 $0x0  }
0x16: {  	s3 =	sld [smem:$0x3FDB];
	s0 =	simm.s32 @p2 $0x1  }
0x17: {  	s4 =	simm.s32 $0x1BF5;
	[smem:$0x3FB5] =	sst s0  }
0x18: {  	s0 =	sld [smem:$0x3F98];
	_ =	swait.ge [sflag:s4], $0x0  }
0x19: {  	s7 =	sld [smem:$0x3F99]  }
0x1a: {  	s8 =	sadd.s32 $0xFFFFE003, lr  }
0x1b: {  	s9 =	sadd.s32 $0xFFFFFEF7, lr;
	s5 =	simm.s32 $0xFFFFFFFF;
	p2 =	slt.u32 s8, $0xFFFFF086  }
0x1c: {  	p1 =	slt.u32 s9, $0xF7A;
	s5 =	simm.s32 @!p2 $0x0  }
0x1d: {  	s5 =	simm.s32 @p1 $0x1;
	p0 =	seq.s32 s7, s2  }
0x1e: {  	s7 =	smul.u32 @!p0 $0xF7A, s2;
	p2 =	seq.s32 @!p0 s5, $0x0  }
0x1f: {  	s9 =	smul.u32 $0xF7A, s1;
	s8 =	simm.s32 @!p0 $0x1BF5;
	p2 =	por !p2, p0  }
0x20: {  	[sflag:s8] =	ssyncset.s32 @!p0 $0xFFFFF086;
	s6 =	sadd.s32 @!p0 s3, s7;
	s7 =	simm.s32 @!p0 $0x108  }
0x21: {  	s3 =	sadd.s32 s3, s9;
	s6 =	sadd.s32 @!p0 $0x88, s6;
	s7 =	simm.s32 @p2 $0x1082  }
0x22: {  	[simem:s7], [sflag:s8] =	dma.local @!p0 [hbm:s6], $0xF7A  }
0x23: {  	s9 =	sor.u32 $0xD0000000, s2;
	s6 =	simm.s32 $0x108;
	_ =	swait.ge @!p0 [sflag:s8], $0x0  }
0x24: {  	s3 =	sadd.s32 $0x88, s3;
	s6 =	simm.s32 @!p1 $0x1082;
	[sflag:s4] =	ssyncset.s32 $0xFFFFF086  }
0x25: {  	[simem:s6], [sflag:s4] =	dma.local [hbm:s3], $0xF7A  }
0x26: {  	[smem:$0x3F99] =	sst s1;
	(tag) =	ssettag s2;
	_ =	strace s9  }
0x27: {  	s1 =	sld [smem:$0x3FA9]  }
0x28: {  	s2 =	sld [smem:$0x3FAA]  }
0x29: {  	s4 =	sld [smem:$0x3FAC]  }
0x2a: {  	p0 =	seq.s32 s5, $0x0;
	s5 =	sld [smem:$0x3FAD]  }
0x2b: {  	s6 =	sld [smem:$0x3FAE]  }
0x2c: {  	s7 =	sld [smem:$0x3FAF]  }
0x2d: {  	s3 =	simm.s32 $0x108;
	s8 =	sld [smem:$0x3FB0]  }
0x2e: {  	s3 =	simm.s32 @!p0 $0x1082;
	s9 =	sld [smem:$0x3FB1]  }
0x2f: {  	lr =	sadd.s32 s0, s3;
	s0 =	sld [smem:$0x3FA8]  }
0x30: {  	s3 =	sld [smem:$0x3FAB]  }
0x31: {  	[smem:$0x3FB4] =	sst s10  }
0x32: {  	s10 =	sld [smem:$0x3FB2];
	_ =	sdelay $0x3  }
0x33: {  	p0 =	seq.s32 s10, $0x1;
	s10 =	sld [smem:$0x3FB4];
	_ =	sdelay $0x3  }
0x34: {  	[smem:$0x3FB4] =	sst s10  }
0x35: {  	s10 =	sld [smem:$0x3FB3];
	_ =	sdelay $0x3  }
0x36: {  	p1 =	seq.s32 s10, $0x1;
	s10 =	sld [smem:$0x3FB4];
	_ =	sdelay $0x3  }
0x37: {  	[smem:$0x3FB4] =	sst s10  }
0x38: {  	s10 =	sld [smem:$0x3FB5]  }
0x39: {  	_ = 	snop;
	(pc) =	sbr.ind lr, $3  }
0x3a: {  	_ = 	snop  }
0x3b: {  	_ = 	snop  }
0x3c: {  	p2 =	seq.s32 s10, $0x1;
	s10 =	sld [smem:$0x3FB4]  }
0x3d: {  	_ =	shalt  }
0x3e: {  	_ =	shalt  }
0x3f: {  	_ =	shalt  }
0x40: {  	_ =	shalt  }
0x41: {  	_ =	shalt  }
0x42: {  	_ =	shalt  }
0x43: {  	_ =	shalt  }
0x44: {  	_ =	shalt  }
0x45: {  	_ =	shalt  }
0x46: {  	_ =	shalt  }
0x47: {  	_ =	shalt  }
0x48: {  	_ =	shalt  }
0x49: {  	_ =	shalt  }
0x4a: {  	_ =	shalt  }
0x4b: {  	_ =	shalt  }
0x4c: {  	_ =	shalt  }
0x4d: {  	_ =	shalt  }
0x4e: {  	_ =	shalt  }
0x4f: {  	_ =	shalt  }
0x50: {  	_ =	shalt  }
0x51: {  	_ =	shalt  }
0x52: {  	_ =	shalt  }
0x53: {  	_ =	shalt  }
0x54: {  	_ =	shalt  }
0x55: {  	_ =	shalt  }
0x56: {  	_ =	shalt  }
0x57: {  	_ =	shalt  }
0x58: {  	_ =	shalt  }
0x59: {  	_ =	shalt  }
0x5a: {  	_ =	shalt  }
0x5b: {  	_ =	shalt  }
0x5c: {  	_ =	shalt  }
0x5d: {  	_ =	shalt  }
0x5e: {  	_ =	shalt  }
0x5f: {  	_ =	shalt  }
0x60: {  	_ =	shalt  }
0x61: {  	_ =	shalt  }
0x62: {  	_ =	shalt  }
0x63: {  	_ =	shalt  }
0x64: {  	_ =	shalt  }
0x65: {  	_ =	shalt  }
0x66: {  	_ =	shalt  }
0x67: {  	_ =	shalt  }
0x68: {  	_ =	shalt  }
0x69: {  	_ =	shalt  }
0x6a: {  	_ =	shalt  }
0x6b: {  	_ =	shalt  }
0x6c: {  	_ =	shalt  }
0x6d: {  	_ =	shalt  }
0x6e: {  	_ =	shalt  }
0x6f: {  	_ =	shalt  }
0x70: {  	_ =	shalt  }
0x71: {  	_ =	shalt  }
0x72: {  	_ =	shalt  }
0x73: {  	_ =	shalt  }
0x74: {  	_ =	shalt  }
0x75: {  	_ =	shalt  }
0x76: {  	_ =	shalt  }
0x77: {  	_ =	shalt  }
0x78: {  	_ =	shalt  }
0x79: {  	_ =	shalt  }
0x7a: {  	_ =	shalt  }
0x7b: {  	_ =	shalt  }
0x7c: {  	_ =	shalt  }
0x7d: {  	_ =	shalt  }
0x7e: {  	_ =	shalt  }
0x7f: {  	_ =	shalt  }
0x80: {  	_ =	shalt  }
0x81: {  	_ =	shalt  }
0x82: {  	_ =	shalt  }
0x83: {  	_ =	shalt  }
0x84: {  	_ =	shalt  }
0x85: {  	_ =	shalt  }
0x86: {  	_ =	shalt  }
0x87: {  	_ =	shalt  }
.Lfunc_end0:
.L_simem_size_0:
called_computation_lowered:
.L_overlay_start_0:
0x88: {  	s2 =	sld [smem:$0x3FD9]  }
0x89: {  	s3 =	sld [smem:$0x3FFE];
	_ =	sdelay $0x1  }
0x8a: {  	s1 =	srdreg.scid  }
0x8b: {  	s0 =	sand.u32 $0x1, s1  }
0x8c: {  	s17 =	sshll.u32 s0, $0xA;
	s2 =	sadd.s32 s3, s2  }
0x8d: {  	s2 =	sadd.s32 s2, s17  }
0x8e: {  	[smem:$0x3FC0] =	sst s2  }
0x8f: {  	_ = 	snop  }
0x90: {  	s2 =	sld [smem:$0x3FC9]  }
0x91: {  	s18 =	sld [smem:$0x3FC8];
	(tm) =	ssettm $0x1  }
0x92: {  	s4 =	sld [smem:$0x3FFB];
	_ =	sdelay $0x3  }
0x93: {  	_ =	strace s4  }
0x94: {  	s4 =	sld [smem:$0x3FFC];
	_ =	sdelay $0x3  }
0x95: {  	_ =	strace s4  }
0x96: {  	s4 =	sld [smem:$0x3FFD];
	_ =	sdelay $0x3  }
0x97: {  	_ =	strace s4  }
0x98: {  	_ =	strace $0x8FFFFFFF  }
0x99: {  	s19 =	sld [smem:$0x3FDB];
	_ =	sdelay $0x1  }
0x9a: {  	s5 =	simm.s32 $_scs_section_size  }
0x9b: {  	s6 =	simm.s32 $_size__tile_overlayer_lowered;
	s7 =	simm.s32 $_tile_overlayer_lowered  }
0x9c: {  	s22 =	simm.s32 $0x1BFF;
	s21 =	sshll.u32 s7, $0x1;
	s4 =	sadd.s32 s5, s19  }
0x9d: {  	s8 =	simm.s32 $0x0;
	s20 =	sshll.u32 s6, $0x1;
	s6 =	sadd.s32 s21, s4  }
0x9e: {  	[timem:s8], [sflag:s22] =	dma.local [hbm:s6], s20  }
0x9f: {  	_ =	swait.ge [sflag:s22], s20  }
0xa0: {  	s5 =	ssub.s32 $0x0, s20;
	[sflag:s22] =	ssyncset.done $0x0  }
0xa1: {  	[sflag:s22] =	ssyncadd.s32 s5;
	_ =	sdelay $0x1  }
0xa2: {  	s23 =	simm.s32 $0x1B8B  }
0xa3: {  	_ =	swait.ge [sflag:s23], $0x1  }
0xa4: {  	[sflag:s23] =	ssyncset.done $0x0  }
0xa5: {  	s25 =	simm.s32 $0x1B8E;
	s24 =	sld [smem:$0x3FFE];
	[sflag:s23] =	ssyncadd.s32 $0xFFFFFFFF  }
0xa6: {  	s26 =	simm.s32 $execute0_lowered;
	[smem:$0x3FD2] =	sst s25  }
0xa7: {  	s6 =	sshll.u32 s26, $0x1;
	_ =	strace $0x80000046;
	[dreg:$0x1] =	wrdreg $0xFFFFFFFF  }
0xa8: {  	s28 =	simm.s32 $_size_execute0_lowered;
	s4 =	sadd.s32 s4, s6;
	[dreg:$0x0] =	wrdreg $0x0  }
0xa9: {  	s6 =	sshll.u32 s28, $0x1;
	[dreg:$0x2] =	wrdreg s4  }
0xaa: {  	[dreg:$0x3] =	wrdreg s6  }
0xab: {  	[dreg:$0x4] =	wrdreg $0xC0  }
0xac: {  	_ =	task [dreg:s8], $0x5FFFF  }
0xad: {  	[dreg:$0x1] =	wrdreg $0xFFFFFFFF  }
0xae: {  	[dreg:$0x0] =	wrdreg $0x60  }
0xaf: {  	[dreg:$0x2] =	wrdreg s2  }
0xb0: {  	[dreg:$0x3] =	wrdreg s18  }
0xb1: {  	[dreg:$0x4] =	wrdreg s24  }
0xb2: {  	[dreg:$0x5] =	wrdreg $0x9  }
0xb3: {  	_ =	task.clear_ibuf [dreg:s8], $0x6FFFF;
	_ =	strace $0x90000046  }
0xb4: {  	s29 =	simm.s32 $0x9;
	_ =	strace $0x80000048  }
0xb5: {  	_ =	swait.ge [sflag:s29], $0x1  }
0xb6: {  	[sflag:s29] =	ssyncadd.s32 $0xFFFFFFFF  }
0xb7: {  	_ =	strace $0x90000048  }
0xb8: {  	_ =	sfence  }
0xb9: {  	s30 =	sld [smem:$0x0];
	_ =	sdelay $0x2  }
0xba: {  	s31 =	sshll.u32 s1, $0xD;
	s1 =	sshrl.u32 s1, $0x2  }
0xbb: {  	s3 =	sand.u32 $0x4000, s31;
	s1 =	sadd.s32 s1, s30  }
0xbc: {  	s0 =	sor.u32 s3, s0;
	s1 =	sshll.u32 s1, $0x11  }
0xbd: {  	s0 =	sor.u32 s1, s0  }
0xbe: {  	s0 =	sadd.s32 $0x8F2B, s0  }
0xbf: {  	[sflag:s0] =	ssyncadd.remote.s32 $0x1  }
0xc0: {  	_ =	sfence.sel $0xFFFF  }
0xc1: {  	[dreg:$0x0] =	wrdreg $0xFFFFFFFF;
	(pc) =	sbr.abs _section_cstart, $3  }
0xc2: {  	[dreg:$0x1] =	wrdreg $0xFFFFFFFF  }
0xc3: {  	_ =	task.clear_ibuf [dreg:s8], $0x2FFFF;
	_ =	strace $0x9FFFFFFF  }
0xc4: {  	(tm) =	ssettm $0x7FFFFFFF  }
0xc5: {  	_ =	shalt  }
tec
execute0_lowered:
.L_overlay_start_1:
0x0: {  	(tag) =	ssettag $0x1  }
0x1: {  	s0 =	rddreg [dreg:$0x0]  }
0x2: {  	s1 =	rddreg [dreg:$0x1]  }
0x3: {  	s3 =	rddreg [dreg:$0x2]  }
0x4: {  	s4 =	srdreg.scid;
	s11 =	stileid.u32;
	s2 =	simm.s32 $0x0  }
0x5: {  	s28 =	simm.s32 $0x1;
	s29 =	simm.s32 $0x80;
	s4 =	sand.u32 $0x1, s4  }
0x6: {  	s5 =	sshll.u32 s11, $0x1;
	[smem:$0x7FF] =	sst s2;
	s10 =	sshll.u32 s11, $0x11  }
0x7: {  	s5 =	sor.u32 s4, s5;
	_ =	strace $0x80000047;
	s20 =	ssub.s32 $0x2, s4  }
0x8: {  	s13 =	sshll.u32 s4, $0x14;
	s14 =	sand.u32 $0xC0000, s10;
	s15 =	sand.u32 $0x20000, s10  }
0x9: {  	s6 =	sshll.u32 s5, $0x8;
	s7 =	sshll.u32 s5, $0x5;
	s5 =	sshll.u32 s5, $0x4  }
0xa: {  	s9 =	sshrl.u32 s20, $0x1;
	s21 =	sor.u32 s13, s14;
	s6 =	sadd.s32 s6, s3  }
0xb: {  	s7 =	sadd.s32 s7, s3;
	s8 =	sadd.s32 s5, s3;
	s3 =	sadd.s32 $0x5000, s3  }
0xc: {  	s12 =	ssub.s32 s20, s9;
	s9 =	sor.u32 s15, s21;
	s20 =	sshrl.u32 s11, $0x3  }
0xd: {  	s4 =	sadd.s32 $0x3000, s6;
	s5 =	sadd.s32 $0x1000, s6;
	s6 =	sadd.s32 $0xC00, s7  }
0xe: {  	s7 =	sadd.s32 $0x800, s7;
	s16 =	sshrl.u32 s9, $0x3;
	s17 =	sshll.u32 s20, $0x15  }
0xf: {  	p0 =	sne.s32 s20, $0x0;
	s20 =	simm.s32 $0x900;
	s9 =	sadd.s32 s1, s16  }
0x10: {  	s18 =	sor.u32 $0x1000, s16;
	s19 =	sor.u32 $0x2000, s16;
	s21 =	sor.u32 $0x3000, s16  }
0x11: {  	s24 =	sor.u32 s13, s17;
	s25 =	sadd.s32 s0, s16;
	s16 =	sadd.s32 $0x85000, s8  }
0x12: {  	s17 =	smax.u32 s12, $0x1;
	s12 =	simm.s32 $0x5;
	[dreg:$0x4] =	wrdreg s9  }
0x13: {  	s13 =	simm.s32 $0x0;
	s22 =	sadd.s32 s1, s18;
	[dreg:$0x7] =	wrdreg s25  }
0x14: {  	s23 =	sadd.s32 s1, s19;
	s11 =	sadd.s32 s1, s21;
	[dreg:$0x5] =	wrdreg s22  }
0x15: {  	s26 =	sadd.s32 s0, s18;
	s1 =	sor.u32 s14, s24;
	[dreg:$0x6] =	wrdreg s23  }
0x16: {  	s30 =	sadd.s32 s0, s19;
	s0 =	sadd.s32 s0, s21;
	[dreg:$0x8] =	wrdreg s26  }
0x17: {  	s21 =	simm.s32 $0x800;
	s24 =	simm.s32 $0xA400;
	[dreg:$0x9] =	wrdreg s30  }
0x18: {  	s25 =	simm.s32 $0x3;
	[dreg:$0xa] =	wrdreg s0;
	s31 =	sor.u32 s15, s1  }
0x19: {  	s22 =	simm.s32 $0x1100;
	s23 =	simm.s32 $0x2400;
	s18 =	sshrl.u32 s31, $0x3  }
0x1a: {  	s26 =	simm.s32 $0x4;
	s0 =	simm.s32 $0x2;
	s19 =	sadd.s32 s18, s3  }
.LBB2_1:
0x1b: {  	[tilespmem:s2], [sflag:$0x1] =	stream.linear.gather [hbm4b:s4+s2], $0x800, $0x38;
	[tilespmem:$0x12480] =	vst v63  }
0x1c: {  	_ = 	snop  }
0x1d: {  	[tilespmem:s20], [sflag:$0x1] =	stream.linear.gather [hbm4b:s5+s2], $0x800, $0x38;
	[tilespmem:$0x12480] =	vst v63  }
.Ltmp0:
0x1e: {  	_ = 	snop;
	(pc) =	sbr.rel @!p0 .LBB2_2-.Ltmp0, $4  }
0x1f: {  	_ = 	snop  }
0x20: {  	[tilespmem:s21], [sflag:$0x1] =	stream.linear.gather [hbm4b:s6+s2], $0x100, $0x38;
	[tilespmem:$0x12480] =	vst v63  }
0x21: {  	s1 =	simm.s32 $0x0  }
0x22: {  	[tilespmem:s22], [sflag:$0x1] =	stream.linear.gather [hbm4b:s7+s2], $0x100, $0x38;
	[tilespmem:$0x12480] =	vst v63  }
0x23: {  	s8 =	rddreg [dreg:$0x4]  }
0x24: {  	[tilespmem:s23], [sflag:$0x3] =	stream.linear.gather [hbm4b:s8+s1], $0x8000, $0x38;
	[tilespmem:$0x12480] =	vst v63  }
0x25: {  	s10 =	rddreg [dreg:$0x5]  }
0x26: {  	[tilespmem:s24], [sflag:$0x3] =	stream.linear.gather [hbm4b:s10+s1], $0x8000, $0x38;
	[tilespmem:$0x12480] =	vst v63  }
0x27: {  	s14 =	sand.u32 $0x7000, s1;
	s15 =	sand.u32 $0x380, s1;
	_ =	swait.ge [sflag:s25], $0x8000  }
0x28: {  	s8 =	sor.u32 s15, s14;
	[sflag:s25] =	ssyncset.done $0x0  }
0x29: {  	s9 =	sadd.s32 $0x10, s19;
	s1 =	sadd.s32 $0x2400, s8;
	[sflag:s25] =	ssyncadd.s32 $0xFFFF8000  }
0x2a: {  	[hbm4b:s19+s2] =	stream.linear.scatter [tilespmem:s1], [sflag:$0x4], $0x80, $0x38;
	[tilespmem:$0x12480] =	vst v63  }
0x2b: {  	s31 =	simm.s32 $0x200;
	s15 =	sadd.s32 $0x30, s19;
	s30 =	sadd.s32 $0x2800, s8  }
0x2c: {  	[hbm4b:s9+s2] =	stream.linear.scatter [tilespmem:s30], [sflag:$0x4], $0x80, $0x38;
	[tilespmem:$0x12480] =	vst v63  }
0x2d: {  	s14 =	sadd.s32 $0x2C00, s8;
	s10 =	sadd.s32 $0x20, s19;
	s1 =	simm.s32 $0x80  }
0x2e: {  	[hbm4b:s10+s2] =	stream.linear.scatter [tilespmem:s14], [sflag:$0x4], $0x80, $0x38;
	[tilespmem:$0x12480] =	vst v63  }
0x2f: {  	s8 =	sadd.s32 $0x3000, s8;
	s30 =	sand.u32 $0x7000, s31;
	s31 =	sand.u32 $0x380, s1  }
0x30: {  	[hbm4b:s15+s2] =	stream.linear.scatter [tilespmem:s8], [sflag:$0x4], $0x80, $0x38;
	[tilespmem:$0x12480] =	vst v63  }
0x31: {  	s14 =	sor.u32 s31, s30;
	s15 =	simm.s32 $0x400;
	s8 =	smov.u32 s19  }
.LBB2_12:
0x32: {  	p1 =	sne.s32 s15, $0x7E00  }
0x33: {  	s9 =	sadd.s32 $0x2400, s14;
	s8 =	sadd.s32 $0x40, s8;
	s1 =	sadd.s32 $0x80, s1  }
0x34: {  	[hbm4b:s8+s2] =	stream.linear.scatter [tilespmem:s9], [sflag:$0x4], $0x80, $0x38;
	[tilespmem:$0x12480] =	vst v63  }
0x35: {  	s9 =	sadd.s32 $0x2800, s14;
	s10 =	sadd.s32 $0x10, s8;
	s30 =	sadd.s32 $0x20, s8  }
0x36: {  	[hbm4b:s10+s2] =	stream.linear.scatter [tilespmem:s9], [sflag:$0x4], $0x80, $0x38;
	[tilespmem:$0x12480] =	vst v63  }
.Ltmp1:
0x37: {  	s9 =	sand.u32 $0x7000, s15;
	s10 =	sadd.s32 $0x2C00, s14;
	(pc) =	sbr.rel @p1 .LBB2_12-.Ltmp1, $4  }
0x38: {  	[hbm4b:s30+s2] =	stream.linear.scatter [tilespmem:s10], [sflag:$0x4], $0x80, $0x38;
	[tilespmem:$0x12480] =	vst v63  }
0x39: {  	s14 =	sadd.s32 $0x3000, s14;
	s10 =	sand.u32 $0x380, s1;
	s30 =	sadd.s32 $0x30, s8  }
0x3a: {  	[hbm4b:s30+s2] =	stream.linear.scatter [tilespmem:s14], [sflag:$0x4], $0x80, $0x38;
	[tilespmem:$0x12480] =	vst v63  }
0x3b: {  	s15 =	sadd.s32 $0x200, s15;
	s14 =	sor.u32 s10, s9  }
0x3c: {  	s1 =	sadd.s32 $0x2400, s14;
	s8 =	sadd.s32 $0x40, s8  }
0x3d: {  	[hbm4b:s8+s2] =	stream.linear.scatter [tilespmem:s1], [sflag:$0x4], $0x80, $0x38;
	[tilespmem:$0x12480] =	vst v63  }
0x3e: {  	s10 =	sadd.s32 $0x2800, s14;
	s9 =	sadd.s32 $0x10, s8  }
0x3f: {  	[hbm4b:s9+s2] =	stream.linear.scatter [tilespmem:s10], [sflag:$0x4], $0x80, $0x38;
	[tilespmem:$0x12480] =	vst v63  }
0x40: {  	s15 =	sadd.s32 $0x2C00, s14;
	s31 =	sadd.s32 $0x20, s8  }
0x41: {  	[hbm4b:s31+s2] =	stream.linear.scatter [tilespmem:s15], [sflag:$0x4], $0x80, $0x38;
	[tilespmem:$0x12480] =	vst v63  }
0x42: {  	s8 =	sadd.s32 $0x30, s8;
	s9 =	sadd.s32 $0x3000, s14  }
0x43: {  	[hbm4b:s8+s2] =	stream.linear.scatter [tilespmem:s9], [sflag:$0x4], $0x80, $0x38;
	[tilespmem:$0x12480] =	vst v63  }
0x44: {  	_ =	swait.ge [sflag:s26], $0x1000  }
0x45: {  	[sflag:s26] =	ssyncset.done $0x0  }
0x46: {  	s14 =	simm.s32 $0x0;
	s10 =	rddreg [dreg:$0x6];
	[sflag:s26] =	ssyncadd.s32 $0xFFFFF000  }
0x47: {  	[tilespmem:s23], [sflag:$0x3] =	stream.linear.gather [hbm4b:s10+s14], $0x8000, $0x38;
	[tilespmem:$0x12480] =	vst v63  }
0x48: {  	s30 =	sor.u32 $0x1000, s18;
	s1 =	simm.s32 $0x200;
	_ =	swait.ge [sflag:s25], $0x8000  }
0x49: {  	s15 =	sand.u32 $0x7000, s14;
	s31 =	sand.u32 $0x380, s14;
	[sflag:s25] =	ssyncset.done $0x0  }
0x4a: {  	s15 =	sor.u32 s31, s15;
	s8 =	smov.u32 s18;
	[sflag:s25] =	ssyncadd.s32 $0xFFFF8000  }
.LBB2_14:
0x4b: {  	p1 =	sne.s32 s1, $0x7E00;
	s9 =	sadd.s32 s3, s30;
	s10 =	sadd.s32 $0xA400, s15  }
0x4c: {  	[hbm4b:s9+s2] =	stream.linear.scatter [tilespmem:s10], [sflag:$0x4], $0x80, $0x38;
	[tilespmem:$0x12480] =	vst v63  }
0x4d: {  	s14 =	sadd.s32 $0x80, s14;
	s8 =	sadd.s32 $0x40, s8  }
0x4e: {  	s10 =	sadd.s32 $0xA800, s15;
	s30 =	sadd.s32 $0x10, s9;
	s31 =	sadd.s32 $0x20, s9  }
0x4f: {  	[hbm4b:s30+s2] =	stream.linear.scatter [tilespmem:s10], [sflag:$0x4], $0x80, $0x38;
	[tilespmem:$0x12480] =	vst v63  }
.Ltmp2:
0x50: {  	s10 =	sand.u32 $0x7000, s1;
	s30 =	sadd.s32 $0xAC00, s15;
	(pc) =	sbr.rel @p1 .LBB2_14-.Ltmp2, $4  }
0x51: {  	[hbm4b:s31+s2] =	stream.linear.scatter [tilespmem:s30], [sflag:$0x4], $0x80, $0x38;
	[tilespmem:$0x12480] =	vst v63  }
0x52: {  	s9 =	sadd.s32 $0x30, s9;
	s15 =	sadd.s32 $0xB000, s15;
	s31 =	sand.u32 $0x380, s14  }
0x53: {  	[hbm4b:s9+s2] =	stream.linear.scatter [tilespmem:s15], [sflag:$0x4], $0x80, $0x38;
	[tilespmem:$0x12480] =	vst v63  }
0x54: {  	s1 =	sadd.s32 $0x200, s1;
	s30 =	sor.u32 $0x1000, s8;
	s15 =	sor.u32 s31, s10  }
0x55: {  	s1 =	sadd.s32 s3, s30;
	s8 =	sadd.s32 $0xA400, s15  }
0x56: {  	[hbm4b:s1+s2] =	stream.linear.scatter [tilespmem:s8], [sflag:$0x4], $0x80, $0x38;
	[tilespmem:$0x12480] =	vst v63  }
0x57: {  	s31 =	sadd.s32 $0xA800, s15;
	s9 =	sadd.s32 $0x10, s1  }
0x58: {  	[hbm4b:s9+s2] =	stream.linear.scatter [tilespmem:s31], [sflag:$0x4], $0x80, $0x38;
	[tilespmem:$0x12480] =	vst v63  }
0x59: {  	s10 =	sadd.s32 $0x20, s1;
	s9 =	sadd.s32 $0xAC00, s15  }
0x5a: {  	[hbm4b:s10+s2] =	stream.linear.scatter [tilespmem:s9], [sflag:$0x4], $0x80, $0x38;
	[tilespmem:$0x12480] =	vst v63  }
0x5b: {  	s14 =	sadd.s32 $0xB000, s15;
	s1 =	sadd.s32 $0x30, s1  }
0x5c: {  	[hbm4b:s1+s2] =	stream.linear.scatter [tilespmem:s14], [sflag:$0x4], $0x80, $0x38;
	[tilespmem:$0x12480] =	vst v63  }
0x5d: {  	_ =	swait.ge [sflag:s26], $0x1000  }
0x5e: {  	[sflag:s26] =	ssyncset.done $0x0  }
0x5f: {  	s14 =	simm.s32 $0x0;
	[sflag:s26] =	ssyncadd.s32 $0xFFFFF000  }
0x60: {  	[tilespmem:s24], [sflag:$0x3] =	stream.linear.gather [hbm4b:s11+s14], $0x8000, $0x38;
	[tilespmem:$0x12480] =	vst v63  }
0x61: {  	s30 =	sor.u32 $0x2000, s18;
	s8 =	smov.u32 s18;
	_ =	swait.ge [sflag:s25], $0x8000  }
0x62: {  	s15 =	sand.u32 $0x7000, s14;
	s31 =	sand.u32 $0x380, s14;
	[sflag:s25] =	ssyncset.done $0x0  }
0x63: {  	s1 =	simm.s32 $0x200;
	s15 =	sor.u32 s31, s15;
	[sflag:s25] =	ssyncadd.s32 $0xFFFF8000  }
.LBB2_16:
0x64: {  	p1 =	sne.s32 s1, $0x7E00;
	s9 =	sadd.s32 s3, s30;
	s10 =	sadd.s32 $0x2400, s15  }
0x65: {  	[hbm4b:s9+s2] =	stream.linear.scatter [tilespmem:s10], [sflag:$0x4], $0x80, $0x38;
	[tilespmem:$0x12480] =	vst v63  }
0x66: {  	s14 =	sadd.s32 $0x80, s14;
	s8 =	sadd.s32 $0x40, s8  }
0x67: {  	s10 =	sadd.s32 $0x2800, s15;
	s30 =	sadd.s32 $0x10, s9;
	s31 =	sadd.s32 $0x20, s9  }
0x68: {  	[hbm4b:s30+s2] =	stream.linear.scatter [tilespmem:s10], [sflag:$0x4], $0x80, $0x38;
	[tilespmem:$0x12480] =	vst v63  }
.Ltmp3:
0x69: {  	s10 =	sand.u32 $0x7000, s1;
	s30 =	sadd.s32 $0x2C00, s15;
	(pc) =	sbr.rel @p1 .LBB2_16-.Ltmp3, $4  }
0x6a: {  	[hbm4b:s31+s2] =	stream.linear.scatter [tilespmem:s30], [sflag:$0x4], $0x80, $0x38;
	[tilespmem:$0x12480] =	vst v63  }
0x6b: {  	s9 =	sadd.s32 $0x30, s9;
	s15 =	sadd.s32 $0x3000, s15;
	s31 =	sand.u32 $0x380, s14  }
0x6c: {  	[hbm4b:s9+s2] =	stream.linear.scatter [tilespmem:s15], [sflag:$0x4], $0x80, $0x38;
	[tilespmem:$0x12480] =	vst v63  }
0x6d: {  	s1 =	sadd.s32 $0x200, s1;
	s30 =	sor.u32 $0x2000, s8;
	s15 =	sor.u32 s31, s10  }
0x6e: {  	s1 =	sadd.s32 s3, s30;
	s8 =	sadd.s32 $0x2400, s15  }
0x6f: {  	[hbm4b:s1+s2] =	stream.linear.scatter [tilespmem:s8], [sflag:$0x4], $0x80, $0x38;
	[tilespmem:$0x12480] =	vst v63  }
0x70: {  	s31 =	sadd.s32 $0x2800, s15;
	s9 =	sadd.s32 $0x10, s1  }
0x71: {  	[hbm4b:s9+s2] =	stream.linear.scatter [tilespmem:s31], [sflag:$0x4], $0x80, $0x38;
	[tilespmem:$0x12480] =	vst v63  }
0x72: {  	s10 =	sadd.s32 $0x20, s1;
	s9 =	sadd.s32 $0x2C00, s15  }
0x73: {  	[hbm4b:s10+s2] =	stream.linear.scatter [tilespmem:s9], [sflag:$0x4], $0x80, $0x38;
	[tilespmem:$0x12480] =	vst v63  }
0x74: {  	s14 =	sadd.s32 $0x3000, s15;
	s30 =	sor.u32 $0x3000, s18;
	s1 =	sadd.s32 $0x30, s1  }
0x75: {  	[hbm4b:s1+s2] =	stream.linear.scatter [tilespmem:s14], [sflag:$0x4], $0x80, $0x38;
	[tilespmem:$0x12480] =	vst v63  }
0x76: {  	s8 =	smov.u32 s18;
	s14 =	simm.s32 $0x0;
	_ =	swait.ge [sflag:s25], $0x8000  }
0x77: {  	s15 =	sand.u32 $0x7000, s14;
	s31 =	sand.u32 $0x380, s14;
	[sflag:s25] =	ssyncset.done $0x0  }
0x78: {  	s1 =	simm.s32 $0x200;
	s15 =	sor.u32 s31, s15;
	[sflag:s25] =	ssyncadd.s32 $0xFFFF8000  }
.LBB2_18:
0x79: {  	p1 =	sne.s32 s1, $0x7E00;
	s9 =	sadd.s32 s3, s30;
	s10 =	sadd.s32 $0xA400, s15  }
0x7a: {  	[hbm4b:s9+s2] =	stream.linear.scatter [tilespmem:s10], [sflag:$0x4], $0x80, $0x38;
	[tilespmem:$0x12480] =	vst v63  }
0x7b: {  	s14 =	sadd.s32 $0x80, s14;
	s8 =	sadd.s32 $0x40, s8  }
0x7c: {  	s10 =	sadd.s32 $0xA800, s15;
	s30 =	sadd.s32 $0x10, s9;
	s31 =	sadd.s32 $0x20, s9  }
0x7d: {  	[hbm4b:s30+s2] =	stream.linear.scatter [tilespmem:s10], [sflag:$0x4], $0x80, $0x38;
	[tilespmem:$0x12480] =	vst v63  }
.Ltmp4:
0x7e: {  	s10 =	sand.u32 $0x7000, s1;
	s30 =	sadd.s32 $0xAC00, s15;
	(pc) =	sbr.rel @p1 .LBB2_18-.Ltmp4, $4  }
0x7f: {  	[hbm4b:s31+s2] =	stream.linear.scatter [tilespmem:s30], [sflag:$0x4], $0x80, $0x38;
	[tilespmem:$0x12480] =	vst v63  }
0x80: {  	s9 =	sadd.s32 $0x30, s9;
	s15 =	sadd.s32 $0xB000, s15;
	s31 =	sand.u32 $0x380, s14  }
0x81: {  	[hbm4b:s9+s2] =	stream.linear.scatter [tilespmem:s15], [sflag:$0x4], $0x80, $0x38;
	[tilespmem:$0x12480] =	vst v63  }
0x82: {  	s1 =	sadd.s32 $0x200, s1;
	s30 =	sor.u32 $0x3000, s8;
	s15 =	sor.u32 s31, s10  }
0x83: {  	s1 =	sadd.s32 s3, s30;
	s8 =	sadd.s32 $0xA400, s15  }
0x84: {  	[hbm4b:s1+s2] =	stream.linear.scatter [tilespmem:s8], [sflag:$0x4], $0x80, $0x38;
	[tilespmem:$0x12480] =	vst v63  }
0x85: {  	s10 =	sadd.s32 $0xA800, s15;
	s9 =	sadd.s32 $0x10, s1  }
0x86: {  	[hbm4b:s9+s2] =	stream.linear.scatter [tilespmem:s10], [sflag:$0x4], $0x80, $0x38;
	[tilespmem:$0x12480] =	vst v63  }
.Ltmp5:
0x87: {  	_ = 	snop;
	(pc) =	sbr.rel .LBB2_20-.Ltmp5, $4  }
0x88: {  	s14 =	sadd.s32 $0xAC00, s15;
	s30 =	sadd.s32 $0x20, s1  }
0x89: {  	[hbm4b:s30+s2] =	stream.linear.scatter [tilespmem:s14], [sflag:$0x4], $0x80, $0x38;
	[tilespmem:$0x12480] =	vst v63  }
0x8a: {  	s31 =	sadd.s32 $0xB000, s15;
	s1 =	sadd.s32 $0x30, s1  }
0x8b: {  	[hbm4b:s1+s2] =	stream.linear.scatter [tilespmem:s31], [sflag:$0x4], $0x80, $0x38;
	[tilespmem:$0x12480] =	vst v63  }
.LBB2_2:
0x8c: {  	s8 =	rddreg [dreg:$0x7]  }
0x8d: {  	[tilespmem:s23], [sflag:$0x3] =	stream.linear.gather [hbm4b:s8+s1], $0x8000, $0x38;
	[tilespmem:$0x12480] =	vst v63  }
0x8e: {  	s10 =	rddreg [dreg:$0x8]  }
0x8f: {  	[tilespmem:s24], [sflag:$0x3] =	stream.linear.gather [hbm4b:s10+s1], $0x8000, $0x38;
	[tilespmem:$0x12480] =	vst v63  }
0x90: {  	s14 =	sand.u32 $0x7000, s1;
	s15 =	sand.u32 $0x380, s1;
	_ =	swait.ge [sflag:s25], $0x8000  }
0x91: {  	s8 =	sor.u32 s15, s14;
	[sflag:s25] =	ssyncset.done $0x0  }
0x92: {  	s31 =	simm.s32 $0x200;
	s1 =	sadd.s32 $0x2400, s8;
	[sflag:s25] =	ssyncadd.s32 $0xFFFF8000  }
0x93: {  	[hbm4b:s19+s2] =	stream.linear.scatter [tilespmem:s1], [sflag:$0x4], $0x80, $0x38;
	[tilespmem:$0x12480] =	vst v63  }
0x94: {  	s14 =	sadd.s32 $0x10, s19;
	s15 =	sadd.s32 $0x20, s19;
	s30 =	sadd.s32 $0x2800, s8  }
0x95: {  	[hbm4b:s14+s2] =	stream.linear.scatter [tilespmem:s30], [sflag:$0x4], $0x80, $0x38;
	[tilespmem:$0x12480] =	vst v63  }
0x96: {  	s9 =	sadd.s32 $0x2C00, s8;
	s8 =	sadd.s32 $0x3000, s8;
	s1 =	simm.s32 $0x80  }
0x97: {  	[hbm4b:s15+s2] =	stream.linear.scatter [tilespmem:s9], [sflag:$0x4], $0x80, $0x38;
	[tilespmem:$0x12480] =	vst v63  }
0x98: {  	s10 =	sadd.s32 $0x30, s19;
	s30 =	sand.u32 $0x7000, s31;
	s31 =	sand.u32 $0x380, s1  }
0x99: {  	[hbm4b:s10+s2] =	stream.linear.scatter [tilespmem:s8], [sflag:$0x4], $0x80, $0x38;
	[tilespmem:$0x12480] =	vst v63  }
0x9a: {  	s14 =	sor.u32 s31, s30;
	s15 =	simm.s32 $0x400;
	s8 =	smov.u32 s19  }
.LBB2_3:
0x9b: {  	p1 =	sne.s32 s15, $0x7E00  }
0x9c: {  	s30 =	sadd.s32 $0x2400, s14;
	s8 =	sadd.s32 $0x40, s8;
	s1 =	sadd.s32 $0x80, s1  }
0x9d: {  	[hbm4b:s8+s2] =	stream.linear.scatter [tilespmem:s30], [sflag:$0x4], $0x80, $0x38;
	[tilespmem:$0x12480] =	vst v63  }
0x9e: {  	s30 =	sadd.s32 $0x2800, s14;
	s31 =	sadd.s32 $0x10, s8;
	s9 =	sadd.s32 $0x20, s8  }
0x9f: {  	[hbm4b:s31+s2] =	stream.linear.scatter [tilespmem:s30], [sflag:$0x4], $0x80, $0x38;
	[tilespmem:$0x12480] =	vst v63  }
.Ltmp6:
0xa0: {  	s30 =	sand.u32 $0x7000, s15;
	s31 =	sadd.s32 $0x2C00, s14;
	(pc) =	sbr.rel @p1 .LBB2_3-.Ltmp6, $4  }
0xa1: {  	[hbm4b:s9+s2] =	stream.linear.scatter [tilespmem:s31], [sflag:$0x4], $0x80, $0x38;
	[tilespmem:$0x12480] =	vst v63  }
0xa2: {  	s14 =	sadd.s32 $0x3000, s14;
	s9 =	sand.u32 $0x380, s1;
	s31 =	sadd.s32 $0x30, s8  }
0xa3: {  	[hbm4b:s31+s2] =	stream.linear.scatter [tilespmem:s14], [sflag:$0x4], $0x80, $0x38;
	[tilespmem:$0x12480] =	vst v63  }
0xa4: {  	s15 =	sadd.s32 $0x200, s15;
	s14 =	sor.u32 s9, s30  }
0xa5: {  	s1 =	sadd.s32 $0x2400, s14;
	s8 =	sadd.s32 $0x40, s8  }
0xa6: {  	[hbm4b:s8+s2] =	stream.linear.scatter [tilespmem:s1], [sflag:$0x4], $0x80, $0x38;
	[tilespmem:$0x12480] =	vst v63  }
0xa7: {  	s10 =	sadd.s32 $0x2800, s14;
	s9 =	sadd.s32 $0x10, s8  }
0xa8: {  	[hbm4b:s9+s2] =	stream.linear.scatter [tilespmem:s10], [sflag:$0x4], $0x80, $0x38;
	[tilespmem:$0x12480] =	vst v63  }
0xa9: {  	s15 =	sadd.s32 $0x2C00, s14;
	s31 =	sadd.s32 $0x20, s8  }
0xaa: {  	[hbm4b:s31+s2] =	stream.linear.scatter [tilespmem:s15], [sflag:$0x4], $0x80, $0x38;
	[tilespmem:$0x12480] =	vst v63  }
0xab: {  	s8 =	sadd.s32 $0x30, s8;
	s9 =	sadd.s32 $0x3000, s14  }
0xac: {  	[hbm4b:s8+s2] =	stream.linear.scatter [tilespmem:s9], [sflag:$0x4], $0x80, $0x38;
	[tilespmem:$0x12480] =	vst v63  }
0xad: {  	_ =	swait.ge [sflag:s26], $0x1000  }
0xae: {  	[sflag:s26] =	ssyncset.done $0x0  }
0xaf: {  	s14 =	simm.s32 $0x0;
	s10 =	rddreg [dreg:$0x9];
	[sflag:s26] =	ssyncadd.s32 $0xFFFFF000  }
0xb0: {  	[tilespmem:s23], [sflag:$0x3] =	stream.linear.gather [hbm4b:s10+s14], $0x8000, $0x38;
	[tilespmem:$0x12480] =	vst v63  }
0xb1: {  	s30 =	sor.u32 $0x1000, s18;
	s1 =	simm.s32 $0x200;
	_ =	swait.ge [sflag:s25], $0x8000  }
0xb2: {  	s15 =	sand.u32 $0x7000, s14;
	s31 =	sand.u32 $0x380, s14;
	[sflag:s25] =	ssyncset.done $0x0  }
0xb3: {  	s15 =	sor.u32 s31, s15;
	s8 =	smov.u32 s18;
	[sflag:s25] =	ssyncadd.s32 $0xFFFF8000  }
.LBB2_5:
0xb4: {  	p1 =	sne.s32 s1, $0x7E00;
	s9 =	sadd.s32 s3, s30;
	s30 =	sadd.s32 $0xA400, s15  }
0xb5: {  	[hbm4b:s9+s2] =	stream.linear.scatter [tilespmem:s30], [sflag:$0x4], $0x80, $0x38;
	[tilespmem:$0x12480] =	vst v63  }
0xb6: {  	s14 =	sadd.s32 $0x80, s14;
	s8 =	sadd.s32 $0x40, s8  }
0xb7: {  	s30 =	sadd.s32 $0xA800, s15;
	s31 =	sadd.s32 $0x10, s9;
	s10 =	sadd.s32 $0x20, s9  }
0xb8: {  	[hbm4b:s31+s2] =	stream.linear.scatter [tilespmem:s30], [sflag:$0x4], $0x80, $0x38;
	[tilespmem:$0x12480] =	vst v63  }
.Ltmp7:
0xb9: {  	s31 =	sand.u32 $0x7000, s1;
	s30 =	sadd.s32 $0xAC00, s15;
	(pc) =	sbr.rel @p1 .LBB2_5-.Ltmp7, $4  }
0xba: {  	[hbm4b:s10+s2] =	stream.linear.scatter [tilespmem:s30], [sflag:$0x4], $0x80, $0x38;
	[tilespmem:$0x12480] =	vst v63  }
0xbb: {  	s9 =	sadd.s32 $0x30, s9;
	s15 =	sadd.s32 $0xB000, s15;
	s10 =	sand.u32 $0x380, s14  }
0xbc: {  	[hbm4b:s9+s2] =	stream.linear.scatter [tilespmem:s15], [sflag:$0x4], $0x80, $0x38;
	[tilespmem:$0x12480] =	vst v63  }
0xbd: {  	s1 =	sadd.s32 $0x200, s1;
	s30 =	sor.u32 $0x1000, s8;
	s15 =	sor.u32 s10, s31  }
0xbe: {  	s1 =	sadd.s32 s3, s30;
	s8 =	sadd.s32 $0xA400, s15  }
0xbf: {  	[hbm4b:s1+s2] =	stream.linear.scatter [tilespmem:s8], [sflag:$0x4], $0x80, $0x38;
	[tilespmem:$0x12480] =	vst v63  }
0xc0: {  	s10 =	sadd.s32 $0xA800, s15;
	s9 =	sadd.s32 $0x10, s1  }
0xc1: {  	[hbm4b:s9+s2] =	stream.linear.scatter [tilespmem:s10], [sflag:$0x4], $0x80, $0x38;
	[tilespmem:$0x12480] =	vst v63  }
0xc2: {  	s14 =	sadd.s32 $0xAC00, s15;
	s31 =	sadd.s32 $0x20, s1  }
0xc3: {  	[hbm4b:s31+s2] =	stream.linear.scatter [tilespmem:s14], [sflag:$0x4], $0x80, $0x38;
	[tilespmem:$0x12480] =	vst v63  }
0xc4: {  	s1 =	sadd.s32 $0x30, s1;
	s9 =	sadd.s32 $0xB000, s15  }
0xc5: {  	[hbm4b:s1+s2] =	stream.linear.scatter [tilespmem:s9], [sflag:$0x4], $0x80, $0x38;
	[tilespmem:$0x12480] =	vst v63  }
0xc6: {  	_ =	swait.ge [sflag:s26], $0x1000  }
0xc7: {  	[sflag:s26] =	ssyncset.done $0x0  }
0xc8: {  	s14 =	simm.s32 $0x0;
	s10 =	rddreg [dreg:$0xa];
	[sflag:s26] =	ssyncadd.s32 $0xFFFFF000  }
0xc9: {  	[tilespmem:s24], [sflag:$0x3] =	stream.linear.gather [hbm4b:s10+s14], $0x8000, $0x38;
	[tilespmem:$0x12480] =	vst v63  }
0xca: {  	s30 =	sor.u32 $0x2000, s18;
	s8 =	smov.u32 s18;
	_ =	swait.ge [sflag:s25], $0x8000  }
0xcb: {  	s15 =	sand.u32 $0x7000, s14;
	s31 =	sand.u32 $0x380, s14;
	[sflag:s25] =	ssyncset.done $0x0  }
0xcc: {  	s15 =	sor.u32 s31, s15;
	s1 =	simm.s32 $0x200;
	[sflag:s25] =	ssyncadd.s32 $0xFFFF8000  }
.LBB2_7:
0xcd: {  	p1 =	sne.s32 s1, $0x7E00;
	s9 =	sadd.s32 s3, s30;
	s10 =	sadd.s32 $0x2400, s15  }
0xce: {  	[hbm4b:s9+s2] =	stream.linear.scatter [tilespmem:s10], [sflag:$0x4], $0x80, $0x38;
	[tilespmem:$0x12480] =	vst v63  }
0xcf: {  	s14 =	sadd.s32 $0x80, s14;
	s8 =	sadd.s32 $0x40, s8  }
0xd0: {  	s10 =	sadd.s32 $0x2800, s15;
	s30 =	sadd.s32 $0x10, s9;
	s31 =	sadd.s32 $0x20, s9  }
0xd1: {  	[hbm4b:s30+s2] =	stream.linear.scatter [tilespmem:s10], [sflag:$0x4], $0x80, $0x38;
	[tilespmem:$0x12480] =	vst v63  }
.Ltmp8:
0xd2: {  	s10 =	sand.u32 $0x7000, s1;
	s30 =	sadd.s32 $0x2C00, s15;
	(pc) =	sbr.rel @p1 .LBB2_7-.Ltmp8, $4  }
0xd3: {  	[hbm4b:s31+s2] =	stream.linear.scatter [tilespmem:s30], [sflag:$0x4], $0x80, $0x38;
	[tilespmem:$0x12480] =	vst v63  }
0xd4: {  	s9 =	sadd.s32 $0x30, s9;
	s15 =	sadd.s32 $0x3000, s15;
	s31 =	sand.u32 $0x380, s14  }
0xd5: {  	[hbm4b:s9+s2] =	stream.linear.scatter [tilespmem:s15], [sflag:$0x4], $0x80, $0x38;
	[tilespmem:$0x12480] =	vst v63  }
0xd6: {  	s1 =	sadd.s32 $0x200, s1;
	s30 =	sor.u32 $0x2000, s8;
	s15 =	sor.u32 s31, s10  }
0xd7: {  	s1 =	sadd.s32 s3, s30;
	s8 =	sadd.s32 $0x2400, s15  }
0xd8: {  	[hbm4b:s1+s2] =	stream.linear.scatter [tilespmem:s8], [sflag:$0x4], $0x80, $0x38;
	[tilespmem:$0x12480] =	vst v63  }
0xd9: {  	s31 =	sadd.s32 $0x2800, s15;
	s9 =	sadd.s32 $0x10, s1  }
0xda: {  	[hbm4b:s9+s2] =	stream.linear.scatter [tilespmem:s31], [sflag:$0x4], $0x80, $0x38;
	[tilespmem:$0x12480] =	vst v63  }
0xdb: {  	s10 =	sadd.s32 $0x20, s1;
	s9 =	sadd.s32 $0x2C00, s15  }
0xdc: {  	[hbm4b:s10+s2] =	stream.linear.scatter [tilespmem:s9], [sflag:$0x4], $0x80, $0x38;
	[tilespmem:$0x12480] =	vst v63  }
0xdd: {  	s14 =	sadd.s32 $0x3000, s15;
	s30 =	sor.u32 $0x3000, s18;
	s1 =	sadd.s32 $0x30, s1  }
0xde: {  	[hbm4b:s1+s2] =	stream.linear.scatter [tilespmem:s14], [sflag:$0x4], $0x80, $0x38;
	[tilespmem:$0x12480] =	vst v63  }
0xdf: {  	s8 =	smov.u32 s18;
	s14 =	simm.s32 $0x0;
	_ =	swait.ge [sflag:s25], $0x8000  }
0xe0: {  	s15 =	sand.u32 $0x7000, s14;
	s31 =	sand.u32 $0x380, s14;
	[sflag:s25] =	ssyncset.done $0x0  }
0xe1: {  	s1 =	simm.s32 $0x200;
	s15 =	sor.u32 s31, s15;
	[sflag:s25] =	ssyncadd.s32 $0xFFFF8000  }
.LBB2_9:
0xe2: {  	p1 =	seq.s32 s1, $0x7E00;
	s9 =	sadd.s32 s3, s30;
	s10 =	sadd.s32 $0xA400, s15  }
0xe3: {  	[hbm4b:s9+s2] =	stream.linear.scatter [tilespmem:s10], [sflag:$0x4], $0x80, $0x38;
	[tilespmem:$0x12480] =	vst v63  }
0xe4: {  	s14 =	sadd.s32 $0x80, s14;
	s8 =	sadd.s32 $0x40, s8  }
0xe5: {  	s10 =	sadd.s32 $0xA800, s15;
	s30 =	sadd.s32 $0x10, s9;
	s31 =	sadd.s32 $0x20, s9  }
0xe6: {  	[hbm4b:s30+s2] =	stream.linear.scatter [tilespmem:s10], [sflag:$0x4], $0x80, $0x38;
	[tilespmem:$0x12480] =	vst v63  }
.Ltmp9:
0xe7: {  	s10 =	sand.u32 $0x7000, s1;
	s30 =	sadd.s32 $0xAC00, s15;
	(pc) =	sbr.rel @!p1 .LBB2_9-.Ltmp9, $4  }
0xe8: {  	[hbm4b:s31+s2] =	stream.linear.scatter [tilespmem:s30], [sflag:$0x4], $0x80, $0x38;
	[tilespmem:$0x12480] =	vst v63  }
0xe9: {  	s9 =	sadd.s32 $0x30, s9;
	s15 =	sadd.s32 $0xB000, s15;
	s31 =	sand.u32 $0x380, s14  }
0xea: {  	[hbm4b:s9+s2] =	stream.linear.scatter [tilespmem:s15], [sflag:$0x4], $0x80, $0x38;
	[tilespmem:$0x12480] =	vst v63  }
0xeb: {  	s1 =	sadd.s32 $0x200, s1;
	s30 =	sor.u32 $0x3000, s8;
	s15 =	sor.u32 s31, s10  }
0xec: {  	s1 =	sadd.s32 s3, s30;
	s8 =	sadd.s32 $0xA400, s15  }
0xed: {  	[hbm4b:s1+s2] =	stream.linear.scatter [tilespmem:s8], [sflag:$0x4], $0x80, $0x38;
	[tilespmem:$0x12480] =	vst v63  }
0xee: {  	s10 =	sadd.s32 $0xA800, s15;
	s9 =	sadd.s32 $0x10, s1  }
0xef: {  	[hbm4b:s9+s2] =	stream.linear.scatter [tilespmem:s10], [sflag:$0x4], $0x80, $0x38;
	[tilespmem:$0x12480] =	vst v63  }
0xf0: {  	s14 =	sadd.s32 $0xAC00, s15;
	s30 =	sadd.s32 $0x20, s1  }
0xf1: {  	[hbm4b:s30+s2] =	stream.linear.scatter [tilespmem:s14], [sflag:$0x4], $0x80, $0x38;
	[tilespmem:$0x12480] =	vst v63  }
0xf2: {  	s31 =	sadd.s32 $0xB000, s15;
	s1 =	sadd.s32 $0x30, s1  }
0xf3: {  	[hbm4b:s1+s2] =	stream.linear.scatter [tilespmem:s31], [sflag:$0x4], $0x80, $0x38;
	[tilespmem:$0x12480] =	vst v63  }
.LBB2_20:
0xf4: {  	_ =	swait.ge [sflag:s26], $0x2000  }
0xf5: {  	[sflag:s26] =	ssyncset.done $0x0  }
0xf6: {  	[sflag:s26] =	ssyncadd.s32 $0xFFFFE000  }
0xf7: {  	_ =	swait.ge [sflag:s28], $0x800  }
0xf8: {  	[sflag:s28] =	ssyncset.done $0x0  }
0xf9: {  	[sflag:s28] =	ssyncadd.s32 $0xFFFFF800  }
0xfa: {  	_ =	swait.ge [sflag:s28], $0x800  }
0xfb: {  	[sflag:s28] =	ssyncset.done $0x0  }
0xfc: {  	[sflag:s28] =	ssyncadd.s32 $0xFFFFF800  }
0xfd: {  	_ =	swait.ge [sflag:s28], $0x100  }
0xfe: {  	[sflag:s28] =	ssyncset.done $0x0  }
0xff: {  	[sflag:s28] =	ssyncadd.s32 $0xFFFFFF00  }
0x100: {  	_ =	swait.ge [sflag:s28], $0x100  }
0x101: {  	[sflag:s28] =	ssyncset.done $0x0  }
0x102: {  	[sflag:s28] =	ssyncadd.s32 $0xFFFFFF00  }
0x103: {  	s1 =	simm.s32 $0x0;
	s8 =	simm.s32 $0x1200;
	[bflag:$0x0] =	sbarrier.arrive $0xFFFF  }
0x104: {  	[tilespmem:s8], [sflag:$0x2] =	stream.indirect.gather [hbm4b:s3+s29], $0x1, s1, s29, $0xb8;
	[tilespmem:$0x12480] =	vst v63  }
0x105: {  	s9 =	simm.s32 $0x1B00  }
0x106: {  	[tilespmem:s9], [sflag:$0x2] =	stream.indirect.gather [hbm4b:s3+s29], $0x1, s20, s29, $0xb8;
	[tilespmem:$0x12480] =	vst v63  }
0x107: {  	s14 =	simm.s32 $0x1280  }
0x108: {  	[tilespmem:s14], [sflag:$0x2] =	stream.indirect.gather [hbm4b:s3+s29], $0x1, s29, s29, $0xb8;
	[tilespmem:$0x12480] =	vst v63  }
0x109: {  	s15 =	simm.s32 $0x980;
	s10 =	simm.s32 $0x1B80  }
0x10a: {  	[tilespmem:s10], [sflag:$0x2] =	stream.indirect.gather [hbm4b:s3+s29], $0x1, s15, s29, $0xb8;
	[tilespmem:$0x12480] =	vst v63  }
0x10b: {  	s14 =	simm.s32 $0x100;
	s15 =	simm.s32 $0x1300  }
0x10c: {  	[tilespmem:s15], [sflag:$0x2] =	stream.indirect.gather [hbm4b:s3+s29], $0x1, s14, s29, $0xb8;
	[tilespmem:$0x12480] =	vst v63  }
0x10d: {  	s14 =	simm.s32 $0xA00;
	s15 =	simm.s32 $0x1C00  }
0x10e: {  	[tilespmem:s15], [sflag:$0x2] =	stream.indirect.gather [hbm4b:s3+s29], $0x1, s14, s29, $0xb8;
	[tilespmem:$0x12480] =	vst v63  }
0x10f: {  	s14 =	simm.s32 $0x180;
	s15 =	simm.s32 $0x1380  }
0x110: {  	[tilespmem:s15], [sflag:$0x2] =	stream.indirect.gather [hbm4b:s3+s29], $0x1, s14, s29, $0xb8;
	[tilespmem:$0x12480] =	vst v63  }
0x111: {  	s14 =	simm.s32 $0xA80;
	s15 =	simm.s32 $0x1C80  }
0x112: {  	[tilespmem:s15], [sflag:$0x2] =	stream.indirect.gather [hbm4b:s3+s29], $0x1, s14, s29, $0xb8;
	[tilespmem:$0x12480] =	vst v63  }
0x113: {  	s14 =	simm.s32 $0x200;
	s15 =	simm.s32 $0x1400  }
0x114: {  	[tilespmem:s15], [sflag:$0x2] =	stream.indirect.gather [hbm4b:s3+s29], $0x1, s14, s29, $0xb8;
	[tilespmem:$0x12480] =	vst v63  }
0x115: {  	s14 =	simm.s32 $0xB00;
	s15 =	simm.s32 $0x1D00  }
0x116: {  	[tilespmem:s15], [sflag:$0x2] =	stream.indirect.gather [hbm4b:s3+s29], $0x1, s14, s29, $0xb8;
	[tilespmem:$0x12480] =	vst v63  }
0x117: {  	s14 =	simm.s32 $0x280;
	s15 =	simm.s32 $0x1480  }
0x118: {  	[tilespmem:s15], [sflag:$0x2] =	stream.indirect.gather [hbm4b:s3+s29], $0x1, s14, s29, $0xb8;
	[tilespmem:$0x12480] =	vst v63  }
0x119: {  	s14 =	simm.s32 $0xB80;
	s15 =	simm.s32 $0x1D80  }
0x11a: {  	[tilespmem:s15], [sflag:$0x2] =	stream.indirect.gather [hbm4b:s3+s29], $0x1, s14, s29, $0xb8;
	[tilespmem:$0x12480] =	vst v63  }
0x11b: {  	s14 =	simm.s32 $0x300;
	s15 =	simm.s32 $0x1500  }
0x11c: {  	[tilespmem:s15], [sflag:$0x2] =	stream.indirect.gather [hbm4b:s3+s29], $0x1, s14, s29, $0xb8;
	[tilespmem:$0x12480] =	vst v63  }
0x11d: {  	s14 =	simm.s32 $0xC00;
	s15 =	simm.s32 $0x1E00  }
0x11e: {  	[tilespmem:s15], [sflag:$0x2] =	stream.indirect.gather [hbm4b:s3+s29], $0x1, s14, s29, $0xb8;
	[tilespmem:$0x12480] =	vst v63  }
0x11f: {  	s14 =	simm.s32 $0x380;
	s15 =	simm.s32 $0x1580  }
0x120: {  	[tilespmem:s15], [sflag:$0x2] =	stream.indirect.gather [hbm4b:s3+s29], $0x1, s14, s29, $0xb8;
	[tilespmem:$0x12480] =	vst v63  }
0x121: {  	s14 =	simm.s32 $0xC80;
	s15 =	simm.s32 $0x1E80  }
0x122: {  	[tilespmem:s15], [sflag:$0x2] =	stream.indirect.gather [hbm4b:s3+s29], $0x1, s14, s29, $0xb8;
	[tilespmem:$0x12480] =	vst v63  }
0x123: {  	s14 =	simm.s32 $0x400;
	s15 =	simm.s32 $0x1600  }
0x124: {  	[tilespmem:s15], [sflag:$0x2] =	stream.indirect.gather [hbm4b:s3+s29], $0x1, s14, s29, $0xb8;
	[tilespmem:$0x12480] =	vst v63  }
0x125: {  	s14 =	simm.s32 $0xD00;
	s15 =	simm.s32 $0x1F00  }
0x126: {  	[tilespmem:s15], [sflag:$0x2] =	stream.indirect.gather [hbm4b:s3+s29], $0x1, s14, s29, $0xb8;
	[tilespmem:$0x12480] =	vst v63  }
0x127: {  	s14 =	simm.s32 $0x480;
	s15 =	simm.s32 $0x1680  }
0x128: {  	[tilespmem:s15], [sflag:$0x2] =	stream.indirect.gather [hbm4b:s3+s29], $0x1, s14, s29, $0xb8;
	[tilespmem:$0x12480] =	vst v63  }
0x129: {  	s14 =	simm.s32 $0xD80;
	s15 =	simm.s32 $0x1F80  }
0x12a: {  	[tilespmem:s15], [sflag:$0x2] =	stream.indirect.gather [hbm4b:s3+s29], $0x1, s14, s29, $0xb8;
	[tilespmem:$0x12480] =	vst v63  }
0x12b: {  	s14 =	simm.s32 $0x500;
	s15 =	simm.s32 $0x1700  }
0x12c: {  	[tilespmem:s15], [sflag:$0x2] =	stream.indirect.gather [hbm4b:s3+s29], $0x1, s14, s29, $0xb8;
	[tilespmem:$0x12480] =	vst v63  }
0x12d: {  	s14 =	simm.s32 $0xE00;
	s15 =	simm.s32 $0x2000  }
0x12e: {  	[tilespmem:s15], [sflag:$0x2] =	stream.indirect.gather [hbm4b:s3+s29], $0x1, s14, s29, $0xb8;
	[tilespmem:$0x12480] =	vst v63  }
0x12f: {  	s14 =	simm.s32 $0x580;
	s15 =	simm.s32 $0x1780  }
0x130: {  	[tilespmem:s15], [sflag:$0x2] =	stream.indirect.gather [hbm4b:s3+s29], $0x1, s14, s29, $0xb8;
	[tilespmem:$0x12480] =	vst v63  }
0x131: {  	s14 =	simm.s32 $0xE80;
	s15 =	simm.s32 $0x2080  }
0x132: {  	[tilespmem:s15], [sflag:$0x2] =	stream.indirect.gather [hbm4b:s3+s29], $0x1, s14, s29, $0xb8;
	[tilespmem:$0x12480] =	vst v63  }
0x133: {  	s14 =	simm.s32 $0x600;
	s15 =	simm.s32 $0x1800  }
0x134: {  	[tilespmem:s15], [sflag:$0x2] =	stream.indirect.gather [hbm4b:s3+s29], $0x1, s14, s29, $0xb8;
	[tilespmem:$0x12480] =	vst v63  }
0x135: {  	s14 =	simm.s32 $0xF00;
	s15 =	simm.s32 $0x2100  }
0x136: {  	[tilespmem:s15], [sflag:$0x2] =	stream.indirect.gather [hbm4b:s3+s29], $0x1, s14, s29, $0xb8;
	[tilespmem:$0x12480] =	vst v63  }
0x137: {  	s14 =	simm.s32 $0x680;
	s15 =	simm.s32 $0x1880  }
0x138: {  	[tilespmem:s15], [sflag:$0x2] =	stream.indirect.gather [hbm4b:s3+s29], $0x1, s14, s29, $0xb8;
	[tilespmem:$0x12480] =	vst v63  }
0x139: {  	s14 =	simm.s32 $0xF80;
	s15 =	simm.s32 $0x2180  }
0x13a: {  	[tilespmem:s15], [sflag:$0x2] =	stream.indirect.gather [hbm4b:s3+s29], $0x1, s14, s29, $0xb8;
	[tilespmem:$0x12480] =	vst v63  }
0x13b: {  	s14 =	simm.s32 $0x700;
	s15 =	simm.s32 $0x1900  }
0x13c: {  	[tilespmem:s15], [sflag:$0x2] =	stream.indirect.gather [hbm4b:s3+s29], $0x1, s14, s29, $0xb8;
	[tilespmem:$0x12480] =	vst v63  }
0x13d: {  	s14 =	simm.s32 $0x1000;
	s15 =	simm.s32 $0x2200  }
0x13e: {  	[tilespmem:s15], [sflag:$0x2] =	stream.indirect.gather [hbm4b:s3+s29], $0x1, s14, s29, $0xb8;
	[tilespmem:$0x12480] =	vst v63  }
0x13f: {  	s14 =	simm.s32 $0x780;
	s15 =	simm.s32 $0x1980  }
0x140: {  	[tilespmem:s15], [sflag:$0x2] =	stream.indirect.gather [hbm4b:s3+s29], $0x1, s14, s29, $0xb8;
	[tilespmem:$0x12480] =	vst v63  }
0x141: {  	s10 =	simm.s32 $0x1080;
	s14 =	simm.s32 $0x2280  }
0x142: {  	[tilespmem:s14], [sflag:$0x2] =	stream.indirect.gather [hbm4b:s3+s29], $0x1, s10, s29, $0xb8;
	[tilespmem:$0x12480] =	vst v63  }
0x143: {  	s15 =	simm.s32 $0x1A00  }
0x144: {  	[tilespmem:s15], [sflag:$0x2] =	stream.indirect.gather [hbm4b:s3+s29], $0x1, s21, s29, $0xb8;
	[tilespmem:$0x12480] =	vst v63  }
0x145: {  	s10 =	simm.s32 $0x2300  }
0x146: {  	[tilespmem:s10], [sflag:$0x2] =	stream.indirect.gather [hbm4b:s3+s29], $0x1, s22, s29, $0xb8;
	[tilespmem:$0x12480] =	vst v63  }
0x147: {  	s14 =	simm.s32 $0x880;
	s15 =	simm.s32 $0x1A80  }
0x148: {  	[tilespmem:s15], [sflag:$0x2] =	stream.indirect.gather [hbm4b:s3+s29], $0x1, s14, s29, $0xb8;
	[tilespmem:$0x12480] =	vst v63  }
0x149: {  	s14 =	simm.s32 $0x1180;
	s15 =	simm.s32 $0x2380  }
0x14a: {  	[tilespmem:s15], [sflag:$0x2] =	stream.indirect.gather [hbm4b:s3+s29], $0x1, s14, s29, $0xb8;
	[tilespmem:$0x12480] =	vst v63  }
0x14b: {  	_ =	swait.ge [sflag:s0], $0x1200  }
0x14c: {  	[sflag:s0] =	ssyncset.done $0x0  }
0x14d: {  	[sflag:s0] =	ssyncadd.s32 $0xFFFFEE00  }
0x14e: {  	v0 =	vld [tilespmem:s8+$0x0];
	_ =	sdelay $0x4  }
0x14f: {  	v0 =	vsub.f32 $0.0e+00, v0;
	_ =	sdelay $0x1  }
0x150: {  	v0 =	vmul.f32 $1.442695020e+00, v0  }
0x151: {  	s9 =	simm.s32 $0x1210  }
0x152: {  	(erf) = vpow2.f32 v0;
	v0 =	vld [tilespmem:s9+$0x0]  }
0x153: {  	s10 =	simm.s32 $0x1220  }
0x154: {  	v1 =	vld [tilespmem:s10+$0x0];
	_ =	sdelay $0x2  }
0x155: {  	v0 =	vsub.f32 $0.0e+00, v0;
	_ =	sdelay $0x1  }
0x156: {  	v1 =	vsub.f32 $0.0e+00, v1;
	v0 =	vmul.f32 $1.442695020e+00, v0;
	_ =	sdelay $0x1  }
0x157: {  	v1 =	vmul.f32 $1.442695020e+00, v1;
	(erf) = vpow2.f32 v0  }
0x158: {  	s14 =	simm.s32 $0x1230  }
0x159: {  	(erf) = vpow2.f32 v1;
	v1 =	vld [tilespmem:s14+$0x0]  }
0x15a: {  	v2 =	vpop (erf)  }
0x15b: {  	v0 =	vadd.f32 $1.000000000e+00, v2  }
0x15c: {  	s15 =	simm.s32 $0x1240  }
0x15d: {  	(erf) = vrcp.f32 v0;
	v0 =	vld [tilespmem:s15+$0x0]  }
0x15e: {  	v1 =	vsub.f32 $0.0e+00, v1;
	_ =	sdelay $0x1  }
0x15f: {  	v1 =	vmul.f32 $1.442695020e+00, v1;
	v3 =	vpop (erf)  }
0x160: {  	s1 =	sand.u32 $0x7F0, s1;
	v3 =	vadd.f32 $1.000000000e+00, v3  }
0x161: {  	v2 =	vld [tilespmem:s1+$0x1B00];
	v0 =	vsub.f32 $0.0e+00, v0;
	(erf) = vpow2.f32 v1  }
0x162: {  	v5 =	vpop (erf);
	(erf) = vrcp.f32 v3  }
0x163: {  	s8 =	simm.s32 $0x1250;
	v1 =	vmul.f32 $1.442695020e+00, v0  }
0x164: {  	v4 =	vld [tilespmem:s8+$0x0];
	v3 =	vadd.f32 $1.000000000e+00, v5  }
0x165: {  	s9 =	simm.s32 $0x10;
	v0 =	vpop (erf);
	(erf) = vpow2.f32 v1  }
0x166: {  	s10 =	sand.u32 $0x7F0, s9;
	v2 =	vsub.f32 v0, v2;
	(erf) = vrcp.f32 v3  }
0x167: {  	v1 =	vld [tilespmem:s10+$0x1B00]  }
0x168: {  	s30 =	simm.s32 $0x20;
	s31 =	simm.s32 $0x30;
	s8 =	simm.s32 $0x1260;
	v2 =	vmul.f32 v2, v2  }
0x169: {  	s14 =	simm.s32 $0x50;
	s1 =	simm.s32 $0x60;
	s15 =	simm.s32 $0x40;
	v0 =	vimm.f32 $0.0e+00;
	v3 =	vsub.f32 $0.0e+00, v4  }
.LBB2_21:
0x16a: {  	v4 =	vld [tilespmem:s8+$0x0];
	v5 =	vpop (erf);
	v2 =	vadd.f32 v2, v2;
	s9 =	smov.u32 s1;
	p1 =	sne.s32 s1, $0x7F0  }
.Ltmp10:
0x16b: {  	s1 =	sadd.s32 $0x10, s1;
	v3 =	vmul.f32 $1.442695020e+00, v3;
	v5 =	vadd.f32 $1.000000000e+00, v5;
	v6 =	vpop (erf);
	(pc) =	sbr.rel @p1 .LBB2_21-.Ltmp10, $4  }
0x16c: {  	s10 =	sand.u32 $0x7F0, s30;
	s30 =	smov.u32 s31;
	s31 =	smov.u32 s15;
	v6 =	vsub.f32 v6, v1;
	v0 =	vadd.f32 v2, v0  }
0x16d: {  	s15 =	smov.u32 s14;
	s14 =	smov.u32 s9;
	(erf) = vpow2.f32 v3;
	v1 =	vld [tilespmem:s10+$0x1B00]  }
0x16e: {  	(erf) = vrcp.f32 v5;
	v2 =	vmul.f32 v6, v6  }
0x16f: {  	s8 =	sadd.s32 $0x10, s8;
	v3 =	vsub.f32 $0.0e+00, v4  }
0x170: {  	_ = 	snop  }
0x171: {  	v3 =	vmul.f32 $1.442695020e+00, v3;
	_ =	sdelay $0x1  }
0x172: {  	(erf) = vpow2.f32 v3;
	_ =	sdelay $0x3  }
0x173: {  	s8 =	simm.s32 $0x1A00  }
0x174: {  	s1 =	simm.s32 $0x800;
	v4 =	vpop (erf);
	v3 =	vld [tilespmem:s8+$0x0]  }
0x175: {  	s1 =	sand.u32 $0xFF0, s1;
	v6 =	vpop (erf)  }
0x176: {  	v5 =	vld [tilespmem:s1+$0x1B00];
	v7 =	vpop (erf)  }
0x177: {  	v4 =	vadd.f32 $1.000000000e+00, v4;
	v8 =	vpop (erf)  }
0x178: {  	v7 =	vadd.f32 $1.000000000e+00, v7;
	v9 =	vpop (erf)  }
0x179: {  	s9 =	simm.s32 $0x810;
	s10 =	simm.s32 $0x1A10;
	(erf) = vrcp.f32 v4;
	v3 =	vsub.f32 $0.0e+00, v3;
	v4 =	vadd.f32 $1.000000000e+00, v9  }
0x17a: {  	s1 =	sand.u32 $0xFF0, s9;
	(erf) = vrcp.f32 v7;
	v7 =	vld [tilespmem:s10+$0x0]  }
0x17b: {  	v5 =	vsub.f32 $0.0e+00, v5;
	v3 =	vmul.f32 $1.442695020e+00, v3;
	(erf) = vrcp.f32 v4;
	v4 =	vld [tilespmem:s1+$0x1B00]  }
0x17c: {  	s9 =	simm.s32 $0x820;
	s10 =	simm.s32 $0x1A20  }
0x17d: {  	v5 =	vmul.f32 $1.442695020e+00, v5;
	s1 =	sand.u32 $0xFF0, s9;
	s9 =	sand.u32 $0x7F0, s30;
	(erf) = vpow2.f32 v3;
	v3 =	vld [tilespmem:s10+$0x0]  }
0x17e: {  	v61 =	vld [tilespmem:s9+$0x1B00]  }
0x17f: {  	v7 =	vsub.f32 $0.0e+00, v7;
	(erf) = vpow2.f32 v5;
	v5 =	vld [tilespmem:s1+$0x1B00]  }
0x180: {  	s10 =	sand.u32 $0x7F0, s31;
	v4 =	vsub.f32 $0.0e+00, v4  }
0x181: {  	v1 =	vsub.f32 v6, v1;
	v7 =	vmul.f32 $1.442695020e+00, v7;
	v6 =	vld [tilespmem:s10+$0x1B00]  }
0x182: {  	v2 =	vadd.f32 v2, v2;
	v4 =	vmul.f32 $1.442695020e+00, v4  }
0x183: {  	v1 =	vmul.f32 v1, v1;
	s30 =	simm.s32 $0x1A30;
	(erf) = vpow2.f32 v7;
	v3 =	vsub.f32 $0.0e+00, v3  }
0x184: {  	v10 =	vpop (erf);
	v8 =	vsub.f32 v8, v61;
	v5 =	vsub.f32 $0.0e+00, v5;
	(erf) = vpow2.f32 v4;
	v4 =	vld [tilespmem:s30+$0x0]  }
0x185: {  	s15 =	sand.u32 $0x7F0, s15;
	v0 =	vadd.f32 v2, v0;
	v1 =	vadd.f32 v1, v1;
	v3 =	vmul.f32 $1.442695020e+00, v3  }
0x186: {  	v11 =	vld [tilespmem:s15+$0x1B00];
	v6 =	vsub.f32 v10, v6;
	v8 =	vmul.f32 v8, v8;
	v5 =	vmul.f32 $1.442695020e+00, v5  }
0x187: {  	v0 =	vadd.f32 v1, v0;
	s31 =	simm.s32 $0x830;
	v7 =	vpop (erf);
	(erf) = vpow2.f32 v3  }
0x188: {  	s9 =	sand.u32 $0xFF0, s31;
	v62 =	vpop (erf);
	v6 =	vmul.f32 v6, v6;
	(erf) = vpow2.f32 v5;
	v5 =	vadd.f32 v8, v8  }
0x189: {  	v63 =	vld [tilespmem:s9+$0x1B00];
	v2 =	vpop (erf);
	v4 =	vsub.f32 $0.0e+00, v4  }
0x18a: {  	v3 =	vpop (erf);
	v0 =	vadd.f32 v5, v0;
	v5 =	vadd.f32 v6, v6  }
0x18b: {  	s10 =	sand.u32 $0x7F0, s14;
	v7 =	vsub.f32 v7, v11;
	v3 =	vadd.f32 $1.000000000e+00, v3;
	v4 =	vmul.f32 $1.442695020e+00, v4  }
0x18c: {  	v1 =	vld [tilespmem:s10+$0x1B00];
	v2 =	vadd.f32 $1.000000000e+00, v2  }
0x18d: {  	s15 =	simm.s32 $0x1A40;
	s14 =	simm.s32 $0x840;
	v6 =	vmul.f32 v7, v7;
	(erf) = vrcp.f32 v3  }
0x18e: {  	s1 =	sand.u32 $0xFF0, s14;
	v7 =	vsub.f32 $0.0e+00, v63;
	v3 =	vld [tilespmem:s15+$0x0];
	v0 =	vadd.f32 v5, v0;
	(erf) = vrcp.f32 v2;
	v5 =	vpop (erf)  }
0x18f: {  	v2 =	vld [tilespmem:s1+$0x1B00];
	(erf) = vpow2.f32 v4;
	v4 =	vpop (erf)  }
0x190: {  	v7 =	vmul.f32 $1.442695020e+00, v7;
	v4 =	vadd.f32 $1.000000000e+00, v4  }
0x191: {  	v1 =	vsub.f32 v62, v1  }
0x192: {  	v5 =	vadd.f32 $1.000000000e+00, v5;
	(erf) = vpow2.f32 v7  }
0x193: {  	v1 =	vmul.f32 v1, v1;
	v3 =	vsub.f32 $0.0e+00, v3;
	(erf) = vrcp.f32 v4  }
0x194: {  	v6 =	vadd.f32 v6, v6;
	v2 =	vsub.f32 $0.0e+00, v2;
	v4 =	vpop (erf);
	(erf) = vrcp.f32 v5  }
0x195: {  	s30 =	simm.s32 $0x1A50;
	v1 =	vadd.f32 v1, v1;
	v3 =	vmul.f32 $1.442695020e+00, v3  }
0x196: {  	s31 =	simm.s32 $0x850;
	v7 =	vld [tilespmem:s30+$0x0];
	v2 =	vmul.f32 $1.442695020e+00, v2;
	v5 =	vpop (erf)  }
0x197: {  	s1 =	sand.u32 $0xFF0, s31;
	v0 =	vadd.f32 v6, v0;
	(erf) = vpow2.f32 v3;
	v5 =	vadd.f32 $1.000000000e+00, v5  }
0x198: {  	v6 =	vpop (erf);
	(erf) = vpow2.f32 v2;
	v2 =	vld [tilespmem:s1+$0x1B00]  }
0x199: {  	v0 =	vadd.f32 v1, v0;
	v1 =	vpop (erf);
	(erf) = vrcp.f32 v5  }
0x19a: {  	v3 =	vadd.f32 $1.000000000e+00, v4  }
0x19b: {  	s14 =	simm.s32 $0x860;
	s15 =	simm.s32 $0x1A60;
	v4 =	vsub.f32 $0.0e+00, v7;
	v1 =	vsub.f32 v1, v6  }
.LBB2_23:
0x19c: {  	_ = 	snop  }
0x19d: {  	v5 =	vld [tilespmem:s15+$0x0];
	s1 =	sand.u32 $0xFF0, s14;
	v6 =	vsub.f32 $0.0e+00, v2;
	v7 =	vpop (erf);
	v10 =	vmul.f32 v1, v1;
	p1 =	sne.s32 s14, $0x8F0;
	(erf) = vrcp.f32 v3  }
.Ltmp11:
0x19e: {  	v3 =	vmul.f32 $1.442695020e+00, v4;
	v2 =	vld [tilespmem:s1+$0x1B00];
	v4 =	vpop (erf);
	(pc) =	sbr.rel @p1 .LBB2_23-.Ltmp11, $4  }
0x19f: {  	s14 =	sadd.s32 $0x10, s14;
	v6 =	vmul.f32 $1.442695020e+00, v6;
	v0 =	vadd.f32 v10, v0;
	v8 =	vpop (erf)  }
0x1a0: {  	v9 =	vadd.f32 $1.000000000e+00, v4;
	(erf) = vpow2.f32 v3;
	v1 =	vpop (erf)  }
0x1a1: {  	v3 =	vadd.f32 $1.000000000e+00, v7;
	(erf) = vpow2.f32 v6;
	v1 =	vsub.f32 v1, v8  }
0x1a2: {  	s15 =	sadd.s32 $0x10, s15;
	v4 =	vsub.f32 $0.0e+00, v5;
	(erf) = vrcp.f32 v9  }
0x1a3: {  	v2 =	vsub.f32 $0.0e+00, v2  }
0x1a4: {  	v4 =	vmul.f32 $1.442695020e+00, v4  }
0x1a5: {  	(erf) = vrcp.f32 v3;
	v2 =	vmul.f32 $1.442695020e+00, v2  }
0x1a6: {  	(erf) = vpow2.f32 v4  }
0x1a7: {  	v39 =	vpop (erf);
	(erf) = vpow2.f32 v2  }
0x1a8: {  	v40 =	vpop (erf)  }
0x1a9: {  	v41 =	vpop (erf)  }
0x1aa: {  	v5 =	vpop (erf)  }
0x1ab: {  	v6 =	vpop (erf)  }
0x1ac: {  	v7 =	vpop (erf)  }
0x1ad: {  	v2 =	vadd.f32 $1.000000000e+00, v40;
	v8 =	vpop (erf)  }
0x1ae: {  	v3 =	vadd.f32 $1.000000000e+00, v39;
	v9 =	vpop (erf)  }
0x1af: {  	(erf) = vrcp.f32 v2;
	v42 =	vadd.f32 $1.000000000e+00, v7;
	v43 =	vpop (erf)  }
0x1b0: {  	(erf) = vrcp.f32 v3;
	v44 =	vadd.f32 $1.000000000e+00, v6;
	v45 =	vpop (erf)  }
0x1b1: {  	(erf) = vrcp.f32 v42;
	v46 =	vadd.f32 $1.000000000e+00, v45  }
0x1b2: {  	v47 =	vadd.f32 $1.000000000e+00, v43;
	(erf) = vrcp.f32 v44  }
0x1b3: {  	(erf) = vrcp.f32 v46  }
0x1b4: {  	(erf) = vrcp.f32 v47;
	_ =	sdelay $0x1  }
0x1b5: {  	v1 =	vmul.f32 v1, v1;
	v48 =	vsub.f32 v5, v41;
	_ =	sdelay $0x1  }
0x1b6: {  	v0 =	vadd.f32 v1, v0;
	v49 =	vmul.f32 v48, v48;
	v50 =	vsub.f32 v9, v8;
	v51 =	vpop (erf)  }
0x1b7: {  	v52 =	vpop (erf)  }
0x1b8: {  	v0 =	vadd.f32 v49, v0;
	v53 =	vmul.f32 v50, v50;
	v54 =	vsub.f32 v52, v51;
	v55 =	vpop (erf)  }
0x1b9: {  	v56 =	vpop (erf)  }
0x1ba: {  	v0 =	vadd.f32 v53, v0;
	v57 =	vmul.f32 v54, v54;
	v58 =	vsub.f32 v56, v55;
	v59 =	vpop (erf)  }
0x1bb: {  	v60 =	vpop (erf)  }
0x1bc: {  	v0 =	vadd.f32 v57, v0;
	v61 =	vmul.f32 v58, v58;
	v62 =	vsub.f32 v60, v59;
	_ =	sdelay $0x1  }
0x1bd: {  	v0 =	vadd.f32 v61, v0;
	v63 =	vmul.f32 v62, v62;
	_ =	sdelay $0x1  }
0x1be: {  	s13 =	sadd.s32 $0x1, s13;
	v0 =	vadd.f32 v63, v0  }
0x1bf: {  	p1 =	sne.s32 s13, s17  }
.Ltmp12:
0x1c0: {  	s1 =	simm.s32 $0x12400;
	[tilespmem:$0x12400] =	vst v0;
	(pc) =	sbr.rel @p1 .LBB2_1-.Ltmp12, $4  }
0x1c1: {  	[hbm4b:s16+s2] =	stream.linear.scatter [tilespmem:s1], [sflag:$0x5], $0x80, $0x38;
	[tilespmem:$0x12480] =	vst v63  }
0x1c2: {  	_ =	swait.ge [sflag:s12], $0x80  }
0x1c3: {  	[sflag:s12] =	ssyncset.done $0x0  }
0x1c4: {  	[sflag:s12] =	ssyncadd.s32 $0xFFFFFF80  }
0x1c5: {  	_ =	sfence.sel $0x180000  }
0x1c6: {  	[bflag:$0x0] =	sbarrier.arrive $0xFFFF  }
0x1c7: {  	_ =	strace $0x90000047  }
0x1c8: {  	s0 =	stileid.u32;
	[bflag:$0x2] =	sbarrier.arrive $0xFFFF  }
0x1c9: {  	p0 =	sne.s32 s0, $0x0;
	s0 =	rddreg [dreg:$0x3]  }
0x1ca: {  	s0 =	sadd.s32 @!p0 $0x100000, s0  }
0x1cb: {  	[sflag:s0] =	ssyncadd.tile.s32 @!p0 $0x1;
	_ =	shalt  }
.Lfunc_end2:
_tile_overlayer_lowered:
.L_overlay_start_2:
0x1cc: {  	(tag) =	ssettag $0x2  }
0x1cd: {  	s0 =	rddreg [dreg:$0x0];
	s2 =	stileid.u32  }
0x1ce: {  	s1 =	rddreg [dreg:$0x1];
	p0 =	sne.s32 s2, $0x0  }
0x1cf: {  	s3 =	rddreg [dreg:$0x2];
	[bflag:$0x3] =	sbarrier.arrive $0xFFFF;
	s2 =	simm.s32 @!p0 $0x1C05  }
0x1d0: {  	[timem:s3], [sflag:s2] =	dma.local @!p0 [hbm:s0], s1  }
0x1d1: {  	s0 =	simm.s32 @!p0 $0x5  }
0x1d2: {  	_ =	swait.ge @!p0 [sflag:s0], s1  }
0x1d3: {  	s1 =	ssub.s32 @!p0 $0x0, s1;
	[sflag:s0] =	ssyncset.done @!p0 $0x0  }
0x1d4: {  	[sflag:s0] =	ssyncadd.s32 @!p0 s1  }
0x1d5: {  	[bflag:$0x3] =	sbarrier.arrive $0xFFFF  }
0x1d6: {  	_ =	shalt  }

</sc_bundles>
